<compile_context>
chip_gen: v7x
topology: tpu7x:2x2x1
jax: 0.10.2.dev20260603
libtpu: 0.0.44.dev20260713+nightly
codegen_flags: <defaults>
</compile_context>

<pallas_src>
import jax
import jax.numpy as jnp
from jax import lax
from jax.experimental import pallas as pl
from jax.experimental.pallas import tpu as pltpu
from jax.experimental.pallas import tpu_sc as plsc

N = 10000
E = 160000
IN_DIM = 256
HID_DIM = 512

NP = 10240
EP = 163840
EB = EP // 128
NC = 2
NS = 16
ROWS_PER_TILE = NP // NS
EROWS_SC = EB // NS
EROWS_ALL = EB // (NC * NS)

_MESH = plsc.VectorSubcoreMesh(
    core_axis_name="c", subcore_axis_name="s", num_cores=NC, num_subcores=NS)

_SEM_PAD = [pltpu.SemaphoreType.DMA] * 16


def _deg_body(dst_hbm, zeros_hbm, ones_hbm, out_hbm, *args):
    dstb, onesb, accd = args[16:]
    c = lax.axis_index("c")
    s = lax.axis_index("s")
    w = s * NC + c
    base = s * ROWS_PER_TILE
    pltpu.sync_copy(zeros_hbm.at[pl.ds(base, ROWS_PER_TILE)],
                    accd.at[pl.ds(base, ROWS_PER_TILE)])
    pltpu.sync_copy(ones_hbm, onesb)
    pltpu.sync_copy(dst_hbm.at[pl.ds(w * EROWS_ALL, EROWS_ALL)], dstb)
    plsc.subcore_barrier()

    def step(j, carry):
        pltpu.sync_copy(onesb, accd.at[dstb.at[j]], add=True)
        return carry

    lax.fori_loop(0, EROWS_ALL, step, 0)
    plsc.subcore_barrier()
    pltpu.sync_copy(accd.at[pl.ds(base, ROWS_PER_TILE)],
                    out_hbm.at[c, pl.ds(base, ROWS_PER_TILE)])


_deg_kernel = pl.kernel(
    _deg_body,
    out_type=jax.ShapeDtypeStruct((NC, NP, 16), jnp.float32),
    mesh=_MESH,
    scratch_types=_SEM_PAD + [
        pltpu.VMEM((EROWS_ALL, 128), jnp.int32),
        pltpu.VMEM((128, 16), jnp.float32),
        pltpu.VMEM_SHARED((NP, 16), jnp.float32),
    ],
)


def _make_agg_kernel(n_chunks):
    per_sc = n_chunks // NC

    def _do_chunk(chunk, hs_hbm, out_hbm, srcb, dstb, rows, sem, acc, s):
        base = s * ROWS_PER_TILE
        pltpu.sync_copy(hs_hbm.at[chunk, pl.ds(base, ROWS_PER_TILE)],
                        acc.at[pl.ds(base, ROWS_PER_TILE)])
        plsc.subcore_barrier()

        def step(j, carry):
            pltpu.async_copy(hs_hbm.at[chunk].at[srcb.at[j]], rows, sem).wait()
            pltpu.sync_copy(rows, acc.at[dstb.at[j]], add=True)
            return carry

        lax.fori_loop(0, EROWS_SC, step, 0)
        plsc.subcore_barrier()
        pltpu.sync_copy(acc.at[pl.ds(base, ROWS_PER_TILE)],
                        out_hbm.at[chunk, pl.ds(base, ROWS_PER_TILE)])
        plsc.subcore_barrier()

    def body(hs_hbm, src_hbm, dst_hbm, out_hbm, *args):
        srcb, dstb, rows, sem, acc = args[16:]
        core = lax.axis_index("c")
        s = lax.axis_index("s")
        pltpu.sync_copy(src_hbm.at[pl.ds(s * EROWS_SC, EROWS_SC)], srcb)
        pltpu.sync_copy(dst_hbm.at[pl.ds(s * EROWS_SC, EROWS_SC)], dstb)
        for ci in range(per_sc):
            for co in range(NC):
                @pl.when(core == co)
                def _():
                    _do_chunk(co * per_sc + ci, hs_hbm, out_hbm,
                              srcb, dstb, rows, sem, acc, s)

    return pl.kernel(
        body,
        out_type=jax.ShapeDtypeStruct((n_chunks, NP, 128), jnp.float32),
        mesh=_MESH,
        scratch_types=_SEM_PAD + [
            pltpu.VMEM((EROWS_SC, 128), jnp.int32),
            pltpu.VMEM((EROWS_SC, 128), jnp.int32),
            pltpu.VMEM((128, 128), jnp.float32),
            pltpu.SemaphoreType.DMA,
            pltpu.VMEM_SHARED((NP, 128), jnp.float32),
        ],
    )


_agg4 = _make_agg_kernel(4)
_agg2 = _make_agg_kernel(2)


TN = 512


def _dis(degp_ref):
    deg = degp_ref[0, :, 0] + degp_ref[1, :, 0] + 1.0
    return lax.rsqrt(deg)


def _mm1_body(x_ref, w_ref, degp_ref, out_ref):
    dis = _dis(degp_ref)
    h = jnp.dot(x_ref[...], w_ref[...], preferred_element_type=jnp.float32)
    out_ref[0] = h * dis[:, None]


def _mm1(xp, W1, degp):
    return pl.pallas_call(
        _mm1_body,
        grid=(NP // TN, HID_DIM // 128),
        in_specs=[
            pl.BlockSpec((TN, IN_DIM), lambda i, c: (i, 0)),
            pl.BlockSpec((IN_DIM, 128), lambda i, c: (0, c)),
            pl.BlockSpec((NC, TN, 16), lambda i, c: (0, i, 0)),
        ],
        out_specs=pl.BlockSpec((1, TN, 128), lambda i, c: (c, i, 0)),
        out_shape=jax.ShapeDtypeStruct((HID_DIM // 128, NP, 128), jnp.float32),
    )(xp, W1, degp)


def _mm2_body(agg_ref, w2_ref, b1_ref, degp_ref, out_ref):
    dis = _dis(degp_ref)
    acc = jnp.zeros((TN, IN_DIM), jnp.float32)
    for c in range(HID_DIM // 128):
        z = jax.nn.relu(agg_ref[c] * dis[:, None] + b1_ref[c][None, :])
        acc = acc + jnp.dot(z, w2_ref[c], preferred_element_type=jnp.float32)
    h2s = acc * dis[:, None]
    out_ref[0] = h2s[:, :128]
    out_ref[1] = h2s[:, 128:]


def _mm2(agg1, w2r, b1r, degp):
    return pl.pallas_call(
        _mm2_body,
        grid=(NP // TN,),
        in_specs=[
            pl.BlockSpec((HID_DIM // 128, TN, 128), lambda i: (0, i, 0)),
            pl.BlockSpec((HID_DIM // 128, 128, IN_DIM), lambda i: (0, 0, 0)),
            pl.BlockSpec((HID_DIM // 128, 128), lambda i: (0, 0)),
            pl.BlockSpec((NC, TN, 16), lambda i: (0, i, 0)),
        ],
        out_specs=pl.BlockSpec((2, TN, 128), lambda i: (0, i, 0)),
        out_shape=jax.ShapeDtypeStruct((IN_DIM // 128, NP, 128), jnp.float32),
    )(agg1, w2r, b1r, degp)


def _final_body(agg_ref, b2_ref, degp_ref, out_ref):
    dis = _dis(degp_ref)
    out_ref[:, :128] = agg_ref[0] * dis[:, None] + b2_ref[0][None, :]
    out_ref[:, 128:] = agg_ref[1] * dis[:, None] + b2_ref[1][None, :]


def _final(agg2, b2r, degp):
    return pl.pallas_call(
        _final_body,
        grid=(NP // TN,),
        in_specs=[
            pl.BlockSpec((IN_DIM // 128, TN, 128), lambda i: (0, i, 0)),
            pl.BlockSpec((IN_DIM // 128, 128), lambda i: (0, 0)),
            pl.BlockSpec((NC, TN, 16), lambda i: (0, i, 0)),
        ],
        out_specs=pl.BlockSpec((TN, IN_DIM), lambda i: (i, 0)),
        out_shape=jax.ShapeDtypeStruct((NP, IN_DIM), jnp.float32),
    )(agg2, b2r, degp)


def kernel(x, edge_index, W1, b1, W2, b2):
    ei = edge_index.astype(jnp.int32)
    pad = EP - E
    srcp = jnp.concatenate([ei[0], jnp.zeros((pad,), jnp.int32)])
    dstp = jnp.concatenate([ei[1], jnp.full((pad,), N, jnp.int32)])
    src2d = srcp.reshape(EB, 128)
    dst2d = dstp.reshape(EB, 128)
    xp = jnp.pad(x, ((0, NP - N), (0, 0)))
    w2r = W2.reshape(HID_DIM // 128, 128, IN_DIM)
    b1r = b1.reshape(HID_DIM // 128, 128)
    b2r = b2.reshape(IN_DIM // 128, 128)
    zeros16 = jnp.zeros((NP, 16), jnp.float32)
    ones16 = jnp.ones((128, 16), jnp.float32)

    degp = _deg_kernel(dst2d, zeros16, ones16)
    hs1 = _mm1(xp, W1, degp)
    agg1 = _agg4(hs1, src2d, dst2d)
    hs2 = _mm2(agg1, w2r, b1r, degp)
    agg2 = _agg2(hs2, src2d, dst2d)
    outp = _final(agg2, b2r, degp)
    return outp[:N]

# --- scband reference (transcript-rebuilt; emitter-appended) ---
"""Pipeline reference for scband-gnnaligner-51651276702260 (READ-ONLY COPY).

The authoritative reference and input builder live on the scoring server;
editing this copy changes nothing except your own understanding.
"""

import jax, jax.numpy as jnp
import numpy as np

NUM_NODES = 10000
NUM_EDGES = 160000
IN_DIM = 256
HID_DIM = 512


def gcn_conv(x, edge_index, W, b, num_nodes):
    # PyG-style GCNConv: add self-loops, symmetric normalization, linear transform, scatter-add aggregate
    src = edge_index[0]
    dst = edge_index[1]
    loop = jnp.arange(num_nodes, dtype=edge_index.dtype)
    src = jnp.concatenate([src, loop])
    dst = jnp.concatenate([dst, loop])
    deg = jnp.zeros((num_nodes,), dtype=x.dtype).at[dst].add(1.0)
    deg_inv_sqrt = jnp.where(deg > 0, deg ** -0.5, 0.0)
    coef = deg_inv_sqrt[src] * deg_inv_sqrt[dst]
    h = x @ W
    msg = h[src] * coef[:, None]
    out = jnp.zeros((num_nodes, h.shape[1]), dtype=x.dtype).at[dst].add(msg)
    return out + b


def setup_inputs(seed: int = 0) -> dict:
    key = jax.random.key(seed)
    k_x, k_e, k_w1, k_b1, k_w2, k_b2 = jax.random.split(key, 6)
    x = jax.random.normal(k_x, (NUM_NODES, IN_DIM), dtype=jnp.float32)
    edge_index = jax.random.randint(k_e, (2, NUM_EDGES), 0, NUM_NODES, dtype=jnp.int64)
    s1 = (1.0 / IN_DIM) ** 0.5
    s2 = (1.0 / HID_DIM) ** 0.5
    W1 = jax.random.uniform(k_w1, (IN_DIM, HID_DIM), minval=-s1, maxval=s1, dtype=jnp.float32)
    b1 = jax.random.uniform(k_b1, (HID_DIM,), minval=-s1, maxval=s1, dtype=jnp.float32)
    W2 = jax.random.uniform(k_w2, (HID_DIM, IN_DIM), minval=-s2, maxval=s2, dtype=jnp.float32)
    b2 = jax.random.uniform(k_b2, (IN_DIM,), minval=-s2, maxval=s2, dtype=jnp.float32)
    return {"x": x, "edge_index": edge_index, "W1": W1, "b1": b1, "W2": W2, "b2": b2}


def reference(x, edge_index, W1, b1, W2, b2):
    h = gcn_conv(x, edge_index, W1, b1, NUM_NODES)
    h = jax.nn.relu(h)
    out = gcn_conv(h, edge_index, W2, b2, NUM_NODES)
    return out

if __name__ == "__main__":
    import jax
    _d = setup_inputs()
    print(jax.jit(kernel)(*tuple(_d.values())))

</pallas_src>

<mosaic_0001>
#map = affine_map<(d0, d1) -> (0, 0)>
#map1 = affine_map<(d0, d1) -> (0, 0, 0)>
module attributes {stable_mosaic.version = 14 : i64} {
  func.func @_deg_body(%arg0: i32, %arg1: i32, %arg2: memref<1280x128xi32, #tpu.memory_space<hbm>>, %arg3: memref<10240x16xf32, #tpu.memory_space<hbm>>, %arg4: memref<128x16xf32, #tpu.memory_space<hbm>>, %arg5: memref<2x10240x16xf32, #tpu.memory_space<hbm>>, %arg6: memref<!tpu.dma_semaphore, #tpu.memory_space<semaphore_mem>>, %arg7: memref<!tpu.dma_semaphore, #tpu.memory_space<semaphore_mem>>, %arg8: memref<!tpu.dma_semaphore, #tpu.memory_space<semaphore_mem>>, %arg9: memref<!tpu.dma_semaphore, #tpu.memory_space<semaphore_mem>>, %arg10: memref<!tpu.dma_semaphore, #tpu.memory_space<semaphore_mem>>, %arg11: memref<!tpu.dma_semaphore, #tpu.memory_space<semaphore_mem>>, %arg12: memref<!tpu.dma_semaphore, #tpu.memory_space<semaphore_mem>>, %arg13: memref<!tpu.dma_semaphore, #tpu.memory_space<semaphore_mem>>, %arg14: memref<!tpu.dma_semaphore, #tpu.memory_space<semaphore_mem>>, %arg15: memref<!tpu.dma_semaphore, #tpu.memory_space<semaphore_mem>>, %arg16: memref<!tpu.dma_semaphore, #tpu.memory_space<semaphore_mem>>, %arg17: memref<!tpu.dma_semaphore, #tpu.memory_space<semaphore_mem>>, %arg18: memref<!tpu.dma_semaphore, #tpu.memory_space<semaphore_mem>>, %arg19: memref<!tpu.dma_semaphore, #tpu.memory_space<semaphore_mem>>, %arg20: memref<!tpu.dma_semaphore, #tpu.memory_space<semaphore_mem>>, %arg21: memref<!tpu.dma_semaphore, #tpu.memory_space<semaphore_mem>>, %arg22: memref<40x128xi32, #tpu.memory_space<vmem>>, %arg23: memref<128x16xf32, #tpu.memory_space<vmem>>, %arg24: memref<10240x16xf32, #tpu.memory_space<vmem_shared>>) attributes {dimension_semantics = [#tpu.dimension_semantics<core_parallel>, #tpu.dimension_semantics<subcore_parallel>], iteration_bounds = array<i64: 2, 16>, scalar_prefetch = 0 : i64, scratch_operands = 19 : i64, tpu.core_type = #tpu.core_type<sc_vector_subcore>, window_params = [{transform_indices = #map}, {transform_indices = #map}, {transform_indices = #map}, {transform_indices = #map1}]} {
    %mul3A = arith.constant 2 : i32
    %mul3A_0 = arith.muli %arg1, %mul3A : i32
    %add3A = arith.addi %mul3A_0, %arg0 : i32
    %mul3A_1 = arith.constant 640 : i32
    %mul3A_2 = arith.muli %arg1, %mul3A_1 : i32
    "tpu.region"() ({
      %run_scoped3A = tpu.sem_alloc : memref<!tpu.dma_semaphore, #tpu.memory_space<semaphore_mem>>
      %dma_start3A = arith.constant 0 : i32
      %dma_start3A_11 = tpu.memref_slice %arg24[%mul3A_2, %dma_start3A] : memref<10240x16xf32, #tpu.memory_space<vmem_shared>> -> memref<640x16xf32, #tpu.memory_space<vmem_shared>>
      %dma_start3A_12 = arith.constant 0 : i32
      %dma_start3A_13 = tpu.memref_slice %arg3[%mul3A_2, %dma_start3A_12] : memref<10240x16xf32, #tpu.memory_space<hbm>> -> memref<640x16xf32, #tpu.memory_space<hbm>>
      tpu.enqueue_dma source(%dma_start3A_13 : memref<640x16xf32, #tpu.memory_space<hbm>>) target(%dma_start3A_11 : memref<640x16xf32, #tpu.memory_space<vmem_shared>>) target_semaphore(%run_scoped3A : memref<!tpu.dma_semaphore, #tpu.memory_space<semaphore_mem>>)
      %dma_wait3A = arith.constant 0 : i32
      %dma_wait3A_14 = tpu.memref_slice %arg24[%mul3A_2, %dma_wait3A] : memref<10240x16xf32, #tpu.memory_space<vmem_shared>> -> memref<640x16xf32, #tpu.memory_space<vmem_shared>>
      %dma_wait3A_15 = arith.constant 0 : i32
      %dma_wait3A_16 = tpu.memref_slice %arg3[%mul3A_2, %dma_wait3A_15] : memref<10240x16xf32, #tpu.memory_space<hbm>> -> memref<640x16xf32, #tpu.memory_space<hbm>>
      tpu.wait_dma2 semaphore(%run_scoped3A : memref<!tpu.dma_semaphore, #tpu.memory_space<semaphore_mem>>) src(%dma_wait3A_16 : memref<640x16xf32, #tpu.memory_space<hbm>>) dst(%dma_wait3A_14 : memref<640x16xf32, #tpu.memory_space<vmem_shared>>)
      tpu.yield
    }) : () -> ()
    "tpu.region"() ({
      %run_scoped3A = tpu.sem_alloc : memref<!tpu.dma_semaphore, #tpu.memory_space<semaphore_mem>>
      tpu.enqueue_dma source(%arg4 : memref<128x16xf32, #tpu.memory_space<hbm>>) target(%arg23 : memref<128x16xf32, #tpu.memory_space<vmem>>) target_semaphore(%run_scoped3A : memref<!tpu.dma_semaphore, #tpu.memory_space<semaphore_mem>>)
      tpu.wait_dma2 semaphore(%run_scoped3A : memref<!tpu.dma_semaphore, #tpu.memory_space<semaphore_mem>>) src(%arg4 : memref<128x16xf32, #tpu.memory_space<hbm>>) dst(%arg23 : memref<128x16xf32, #tpu.memory_space<vmem>>)
      tpu.yield
    }) : () -> ()
    %mul3A_3 = arith.constant 40 : i32
    %mul3A_4 = arith.muli %add3A, %mul3A_3 : i32
    "tpu.region"() ({
      %run_scoped3A = tpu.sem_alloc : memref<!tpu.dma_semaphore, #tpu.memory_space<semaphore_mem>>
      %dma_start3A = arith.constant 0 : i32
      %dma_start3A_11 = tpu.memref_slice %arg2[%mul3A_4, %dma_start3A] : memref<1280x128xi32, #tpu.memory_space<hbm>> -> memref<40x128xi32, #tpu.memory_space<hbm>>
      %dma_start3A_12 = arith.constant 0 : i32
      %dma_start3A_13 = tpu.memref_slice %arg2[%mul3A_4, %dma_start3A_12] : memref<1280x128xi32, #tpu.memory_space<hbm>> -> memref<40x128xi32, #tpu.memory_space<hbm>>
      tpu.enqueue_dma source(%dma_start3A_13 : memref<40x128xi32, #tpu.memory_space<hbm>>) target(%arg22 : memref<40x128xi32, #tpu.memory_space<vmem>>) target_semaphore(%run_scoped3A : memref<!tpu.dma_semaphore, #tpu.memory_space<semaphore_mem>>)
      %dma_wait3A = arith.constant 0 : i32
      %dma_wait3A_14 = tpu.memref_slice %arg2[%mul3A_4, %dma_wait3A] : memref<1280x128xi32, #tpu.memory_space<hbm>> -> memref<40x128xi32, #tpu.memory_space<hbm>>
      %dma_wait3A_15 = arith.constant 0 : i32
      %dma_wait3A_16 = tpu.memref_slice %arg2[%mul3A_4, %dma_wait3A_15] : memref<1280x128xi32, #tpu.memory_space<hbm>> -> memref<40x128xi32, #tpu.memory_space<hbm>>
      tpu.wait_dma2 semaphore(%run_scoped3A : memref<!tpu.dma_semaphore, #tpu.memory_space<semaphore_mem>>) src(%dma_wait3A_16 : memref<40x128xi32, #tpu.memory_space<hbm>>) dst(%arg22 : memref<40x128xi32, #tpu.memory_space<vmem>>)
      tpu.yield
    }) : () -> ()
    %barrier3A = arith.constant 0 : index
    tpu.barrier barrier_id(%barrier3A)
    %scan3A = arith.constant 0 : i32
    %scan3A_5 = arith.constant 0 : i32
    %scan3A_6 = arith.constant 40 : i32
    %scan3A_7 = arith.addi %scan3A_5, %scan3A_6 : i32
    %scan3A_8 = arith.constant 1 : i32
    scf.for %scan3A_11 = %scan3A_5 to %scan3A_7 step %scan3A_8  : i32 {
      "tpu.region"() ({
        %run_scoped3A = tpu.sem_alloc : memref<!tpu.dma_semaphore, #tpu.memory_space<semaphore_mem>>
        %dma_start3A = arith.constant 0 : i32
        %dma_start3A_12 = tpu.memref_slice %arg22[%scan3A_11, %dma_start3A] : memref<40x128xi32, #tpu.memory_space<vmem>> -> memref<1x128xi32, #tpu.memory_space<vmem>>
        %dma_start3A_13 = tpu.memref_squeeze %dma_start3A_12 : memref<1x128xi32, #tpu.memory_space<vmem>> -> memref<128xi32, #tpu.memory_space<vmem>>
        %dma_start3A_14 = arith.constant 0 : i32
        %dma_start3A_15 = arith.constant 0 : i32
        %dma_start3A_16 = tpu.memref_slice %arg24[%dma_start3A_14, %dma_start3A_15] : memref<10240x16xf32, #tpu.memory_space<vmem_shared>> -> memref<10240x16xf32, #tpu.memory_space<vmem_shared>>
        tpu.enqueue_indirect_dma source(%arg23 : memref<128x16xf32, #tpu.memory_space<vmem>>) target(%dma_start3A_16 : memref<10240x16xf32, #tpu.memory_space<vmem_shared>>) offsets(%dma_start3A_13 : memref<128xi32, #tpu.memory_space<vmem>>) semaphore(%run_scoped3A : memref<!tpu.dma_semaphore, #tpu.memory_space<semaphore_mem>>) {add = true}
        %dma_wait3A = arith.constant 0 : i32
        %dma_wait3A_17 = tpu.memref_slice %arg22[%scan3A_11, %dma_wait3A] : memref<40x128xi32, #tpu.memory_space<vmem>> -> memref<1x128xi32, #tpu.memory_space<vmem>>
        %dma_wait3A_18 = tpu.memref_squeeze %dma_wait3A_17 : memref<1x128xi32, #tpu.memory_space<vmem>> -> memref<128xi32, #tpu.memory_space<vmem>>
        %dma_wait3A_19 = arith.constant 0 : i32
        %dma_wait3A_20 = arith.constant 0 : i32
        %dma_wait3A_21 = tpu.memref_slice %arg24[%dma_wait3A_19, %dma_wait3A_20] : memref<10240x16xf32, #tpu.memory_space<vmem_shared>> -> memref<10240x16xf32, #tpu.memory_space<vmem_shared>>
        tpu.wait_indirect_dma semaphore(%run_scoped3A : memref<!tpu.dma_semaphore, #tpu.memory_space<semaphore_mem>>) src(%arg23 : memref<128x16xf32, #tpu.memory_space<vmem>>) dst(%dma_wait3A_21 : memref<10240x16xf32, #tpu.memory_space<vmem_shared>>)
        tpu.yield
      }) : () -> ()
    }
    %scan3A_9 = arith.constant 40 : i32
    %barrier3A_10 = arith.constant 0 : index
    tpu.barrier barrier_id(%barrier3A_10)
    "tpu.region"() ({
      %run_scoped3A = tpu.sem_alloc : memref<!tpu.dma_semaphore, #tpu.memory_space<semaphore_mem>>
      %dma_start3A = arith.constant 0 : i32
      %dma_start3A_11 = tpu.memref_slice %arg5[%arg0, %mul3A_2, %dma_start3A] : memref<2x10240x16xf32, #tpu.memory_space<hbm>> -> memref<1x640x16xf32, #tpu.memory_space<hbm>>
      %dma_start3A_12 = tpu.memref_squeeze %dma_start3A_11 : memref<1x640x16xf32, #tpu.memory_space<hbm>> -> memref<640x16xf32, #tpu.memory_space<hbm>>
      %dma_start3A_13 = arith.constant 0 : i32
      %dma_start3A_14 = tpu.memref_slice %arg24[%mul3A_2, %dma_start3A_13] : memref<10240x16xf32, #tpu.memory_space<vmem_shared>> -> memref<640x16xf32, #tpu.memory_space<vmem_shared>>
      tpu.enqueue_dma source(%dma_start3A_14 : memref<640x16xf32, #tpu.memory_space<vmem_shared>>) target(%dma_start3A_12 : memref<640x16xf32, #tpu.memory_space<hbm>>) target_semaphore(%run_scoped3A : memref<!tpu.dma_semaphore, #tpu.memory_space<semaphore_mem>>)
      %dma_wait3A = arith.constant 0 : i32
      %dma_wait3A_15 = tpu.memref_slice %arg5[%arg0, %mul3A_2, %dma_wait3A] : memref<2x10240x16xf32, #tpu.memory_space<hbm>> -> memref<1x640x16xf32, #tpu.memory_space<hbm>>
      %dma_wait3A_16 = tpu.memref_squeeze %dma_wait3A_15 : memref<1x640x16xf32, #tpu.memory_space<hbm>> -> memref<640x16xf32, #tpu.memory_space<hbm>>
      %dma_wait3A_17 = arith.constant 0 : i32
      %dma_wait3A_18 = tpu.memref_slice %arg24[%mul3A_2, %dma_wait3A_17] : memref<10240x16xf32, #tpu.memory_space<vmem_shared>> -> memref<640x16xf32, #tpu.memory_space<vmem_shared>>
      tpu.wait_dma2 semaphore(%run_scoped3A : memref<!tpu.dma_semaphore, #tpu.memory_space<semaphore_mem>>) src(%dma_wait3A_18 : memref<640x16xf32, #tpu.memory_space<vmem_shared>>) dst(%dma_wait3A_16 : memref<640x16xf32, #tpu.memory_space<hbm>>)
      tpu.yield
    }) : () -> ()
    return
  }
}

#map = affine_map<(d0, d1) -> (0, 0, 0)>
#map1 = affine_map<(d0, d1) -> (0, 0)>
module attributes {stable_mosaic.version = 14 : i64} {
  func.func @body(%arg0: i32, %arg1: i32, %arg2: memref<4x10240x128xf32, #tpu.memory_space<hbm>>, %arg3: memref<1280x128xi32, #tpu.memory_space<hbm>>, %arg4: memref<1280x128xi32, #tpu.memory_space<hbm>>, %arg5: memref<4x10240x128xf32, #tpu.memory_space<hbm>>, %arg6: memref<!tpu.dma_semaphore, #tpu.memory_space<semaphore_mem>>, %arg7: memref<!tpu.dma_semaphore, #tpu.memory_space<semaphore_mem>>, %arg8: memref<!tpu.dma_semaphore, #tpu.memory_space<semaphore_mem>>, %arg9: memref<!tpu.dma_semaphore, #tpu.memory_space<semaphore_mem>>, %arg10: memref<!tpu.dma_semaphore, #tpu.memory_space<semaphore_mem>>, %arg11: memref<!tpu.dma_semaphore, #tpu.memory_space<semaphore_mem>>, %arg12: memref<!tpu.dma_semaphore, #tpu.memory_space<semaphore_mem>>, %arg13: memref<!tpu.dma_semaphore, #tpu.memory_space<semaphore_mem>>, %arg14: memref<!tpu.dma_semaphore, #tpu.memory_space<semaphore_mem>>, %arg15: memref<!tpu.dma_semaphore, #tpu.memory_space<semaphore_mem>>, %arg16: memref<!tpu.dma_semaphore, #tpu.memory_space<semaphore_mem>>, %arg17: memref<!tpu.dma_semaphore, #tpu.memory_space<semaphore_mem>>, %arg18: memref<!tpu.dma_semaphore, #tpu.memory_space<semaphore_mem>>, %arg19: memref<!tpu.dma_semaphore, #tpu.memory_space<semaphore_mem>>, %arg20: memref<!tpu.dma_semaphore, #tpu.memory_space<semaphore_mem>>, %arg21: memref<!tpu.dma_semaphore, #tpu.memory_space<semaphore_mem>>, %arg22: memref<80x128xi32, #tpu.memory_space<vmem>>, %arg23: memref<80x128xi32, #tpu.memory_space<vmem>>, %arg24: memref<128x128xf32, #tpu.memory_space<vmem>>, %arg25: memref<!tpu.dma_semaphore, #tpu.memory_space<semaphore_mem>>, %arg26: memref<10240x128xf32, #tpu.memory_space<vmem_shared>>) attributes {dimension_semantics = [#tpu.dimension_semantics<core_parallel>, #tpu.dimension_semantics<subcore_parallel>], iteration_bounds = array<i64: 2, 16>, scalar_prefetch = 0 : i64, scratch_operands = 21 : i64, tpu.core_type = #tpu.core_type<sc_vector_subcore>, window_params = [{transform_indices = #map}, {transform_indices = #map1}, {transform_indices = #map1}, {transform_indices = #map}]} {
    %mul3A = arith.constant 80 : i32
    %mul3A_0 = arith.muli %arg1, %mul3A : i32
    "tpu.region"() ({
      %run_scoped3A = tpu.sem_alloc : memref<!tpu.dma_semaphore, #tpu.memory_space<semaphore_mem>>
      %dma_start3A = arith.constant 0 : i32
      %dma_start3A_20 = tpu.memref_slice %arg3[%mul3A_0, %dma_start3A] : memref<1280x128xi32, #tpu.memory_space<hbm>> -> memref<80x128xi32, #tpu.memory_space<hbm>>
      %dma_start3A_21 = arith.constant 0 : i32
      %dma_start3A_22 = tpu.memref_slice %arg3[%mul3A_0, %dma_start3A_21] : memref<1280x128xi32, #tpu.memory_space<hbm>> -> memref<80x128xi32, #tpu.memory_space<hbm>>
      tpu.enqueue_dma source(%dma_start3A_22 : memref<80x128xi32, #tpu.memory_space<hbm>>) target(%arg22 : memref<80x128xi32, #tpu.memory_space<vmem>>) target_semaphore(%run_scoped3A : memref<!tpu.dma_semaphore, #tpu.memory_space<semaphore_mem>>)
      %dma_wait3A = arith.constant 0 : i32
      %dma_wait3A_23 = tpu.memref_slice %arg3[%mul3A_0, %dma_wait3A] : memref<1280x128xi32, #tpu.memory_space<hbm>> -> memref<80x128xi32, #tpu.memory_space<hbm>>
      %dma_wait3A_24 = arith.constant 0 : i32
      %dma_wait3A_25 = tpu.memref_slice %arg3[%mul3A_0, %dma_wait3A_24] : memref<1280x128xi32, #tpu.memory_space<hbm>> -> memref<80x128xi32, #tpu.memory_space<hbm>>
      tpu.wait_dma2 semaphore(%run_scoped3A : memref<!tpu.dma_semaphore, #tpu.memory_space<semaphore_mem>>) src(%dma_wait3A_25 : memref<80x128xi32, #tpu.memory_space<hbm>>) dst(%arg22 : memref<80x128xi32, #tpu.memory_space<vmem>>)
      tpu.yield
    }) : () -> ()
    %mul3A_1 = arith.constant 80 : i32
    %mul3A_2 = arith.muli %arg1, %mul3A_1 : i32
    "tpu.region"() ({
      %run_scoped3A = tpu.sem_alloc : memref<!tpu.dma_semaphore, #tpu.memory_space<semaphore_mem>>
      %dma_start3A = arith.constant 0 : i32
      %dma_start3A_20 = tpu.memref_slice %arg4[%mul3A_2, %dma_start3A] : memref<1280x128xi32, #tpu.memory_space<hbm>> -> memref<80x128xi32, #tpu.memory_space<hbm>>
      %dma_start3A_21 = arith.constant 0 : i32
      %dma_start3A_22 = tpu.memref_slice %arg4[%mul3A_2, %dma_start3A_21] : memref<1280x128xi32, #tpu.memory_space<hbm>> -> memref<80x128xi32, #tpu.memory_space<hbm>>
      tpu.enqueue_dma source(%dma_start3A_22 : memref<80x128xi32, #tpu.memory_space<hbm>>) target(%arg23 : memref<80x128xi32, #tpu.memory_space<vmem>>) target_semaphore(%run_scoped3A : memref<!tpu.dma_semaphore, #tpu.memory_space<semaphore_mem>>)
      %dma_wait3A = arith.constant 0 : i32
      %dma_wait3A_23 = tpu.memref_slice %arg4[%mul3A_2, %dma_wait3A] : memref<1280x128xi32, #tpu.memory_space<hbm>> -> memref<80x128xi32, #tpu.memory_space<hbm>>
      %dma_wait3A_24 = arith.constant 0 : i32
      %dma_wait3A_25 = tpu.memref_slice %arg4[%mul3A_2, %dma_wait3A_24] : memref<1280x128xi32, #tpu.memory_space<hbm>> -> memref<80x128xi32, #tpu.memory_space<hbm>>
      tpu.wait_dma2 semaphore(%run_scoped3A : memref<!tpu.dma_semaphore, #tpu.memory_space<semaphore_mem>>) src(%dma_wait3A_25 : memref<80x128xi32, #tpu.memory_space<hbm>>) dst(%arg23 : memref<80x128xi32, #tpu.memory_space<vmem>>)
      tpu.yield
    }) : () -> ()
    %eq3A = arith.constant 0 : i32
    %eq3A_3 = arith.cmpi eq, %arg0, %eq3A : i32
    %convert_element_type3A = arith.extui %eq3A_3 : i1 to i32
    %cond3A = arith.constant 0 : i32
    %cond3A_4 = arith.cmpi ne, %convert_element_type3A, %cond3A : i32
    scf.if %cond3A_4 {
      %mul3A_20 = arith.constant 640 : i32
      %mul3A_21 = arith.muli %arg1, %mul3A_20 : i32
      %run_scoped3A = arith.constant 0 : i32
      "tpu.region"() ({
        %run_scoped3A_30 = tpu.sem_alloc : memref<!tpu.dma_semaphore, #tpu.memory_space<semaphore_mem>>
        %dma_start3A = arith.constant 0 : i32
        %dma_start3A_31 = tpu.memref_slice %arg26[%mul3A_21, %dma_start3A] : memref<10240x128xf32, #tpu.memory_space<vmem_shared>> -> memref<640x128xf32, #tpu.memory_space<vmem_shared>>
        %dma_start3A_32 = arith.constant 0 : i32
        %dma_start3A_33 = tpu.memref_slice %arg2[%run_scoped3A, %mul3A_21, %dma_start3A_32] : memref<4x10240x128xf32, #tpu.memory_space<hbm>> -> memref<1x640x128xf32, #tpu.memory_space<hbm>>
        %dma_start3A_34 = tpu.memref_squeeze %dma_start3A_33 : memref<1x640x128xf32, #tpu.memory_space<hbm>> -> memref<640x128xf32, #tpu.memory_space<hbm>>
        tpu.enqueue_dma source(%dma_start3A_34 : memref<640x128xf32, #tpu.memory_space<hbm>>) target(%dma_start3A_31 : memref<640x128xf32, #tpu.memory_space<vmem_shared>>) target_semaphore(%run_scoped3A_30 : memref<!tpu.dma_semaphore, #tpu.memory_space<semaphore_mem>>)
        %dma_wait3A = arith.constant 0 : i32
        %dma_wait3A_35 = tpu.memref_slice %arg26[%mul3A_21, %dma_wait3A] : memref<10240x128xf32, #tpu.memory_space<vmem_shared>> -> memref<640x128xf32, #tpu.memory_space<vmem_shared>>
        %dma_wait3A_36 = arith.constant 0 : i32
        %dma_wait3A_37 = tpu.memref_slice %arg2[%run_scoped3A, %mul3A_21, %dma_wait3A_36] : memref<4x10240x128xf32, #tpu.memory_space<hbm>> -> memref<1x640x128xf32, #tpu.memory_space<hbm>>
        %dma_wait3A_38 = tpu.memref_squeeze %dma_wait3A_37 : memref<1x640x128xf32, #tpu.memory_space<hbm>> -> memref<640x128xf32, #tpu.memory_space<hbm>>
        tpu.wait_dma2 semaphore(%run_scoped3A_30 : memref<!tpu.dma_semaphore, #tpu.memory_space<semaphore_mem>>) src(%dma_wait3A_38 : memref<640x128xf32, #tpu.memory_space<hbm>>) dst(%dma_wait3A_35 : memref<640x128xf32, #tpu.memory_space<vmem_shared>>)
        tpu.yield
      }) : () -> ()
      %barrier3A = arith.constant 0 : index
      tpu.barrier barrier_id(%barrier3A)
      %scan3A = arith.constant 0 : i32
      %scan3A_22 = arith.constant 0 : i32
      %scan3A_23 = arith.constant 80 : i32
      %scan3A_24 = arith.addi %scan3A_22, %scan3A_23 : i32
      %scan3A_25 = arith.constant 1 : i32
      scf.for %scan3A_30 = %scan3A_22 to %scan3A_24 step %scan3A_25  : i32 {
        %dma_start3A = arith.constant 0 : i32
        %dma_start3A_31 = arith.constant 0 : i32
        %dma_start3A_32 = tpu.memref_slice %arg22[%scan3A_30, %dma_start3A_31] : memref<80x128xi32, #tpu.memory_space<vmem>> -> memref<1x128xi32, #tpu.memory_space<vmem>>
        %dma_start3A_33 = tpu.memref_squeeze %dma_start3A_32 : memref<1x128xi32, #tpu.memory_space<vmem>> -> memref<128xi32, #tpu.memory_space<vmem>>
        %dma_start3A_34 = arith.constant 0 : i32
        %dma_start3A_35 = arith.constant 0 : i32
        %dma_start3A_36 = tpu.memref_slice %arg2[%dma_start3A, %dma_start3A_34, %dma_start3A_35] : memref<4x10240x128xf32, #tpu.memory_space<hbm>> -> memref<1x10240x128xf32, #tpu.memory_space<hbm>>
        %dma_start3A_37 = tpu.memref_squeeze %dma_start3A_36 : memref<1x10240x128xf32, #tpu.memory_space<hbm>> -> memref<10240x128xf32, #tpu.memory_space<hbm>>
        %dma_start3A_38 = arith.constant 0 : i32
        %dma_start3A_39 = arith.constant 0 : i32
        %dma_start3A_40 = tpu.memref_slice %dma_start3A_37[%dma_start3A_38, %dma_start3A_39] : memref<10240x128xf32, #tpu.memory_space<hbm>> -> memref<10240x128xf32, #tpu.memory_space<hbm>>
        tpu.enqueue_indirect_dma source(%dma_start3A_40 : memref<10240x128xf32, #tpu.memory_space<hbm>>) target(%arg24 : memref<128x128xf32, #tpu.memory_space<vmem>>) offsets(%dma_start3A_33 : memref<128xi32, #tpu.memory_space<vmem>>) semaphore(%arg25 : memref<!tpu.dma_semaphore, #tpu.memory_space<semaphore_mem>>)
        %dma_wait3A = arith.constant 0 : i32
        %dma_wait3A_41 = arith.constant 0 : i32
        %dma_wait3A_42 = tpu.memref_slice %arg22[%scan3A_30, %dma_wait3A_41] : memref<80x128xi32, #tpu.memory_space<vmem>> -> memref<1x128xi32, #tpu.memory_space<vmem>>
        %dma_wait3A_43 = tpu.memref_squeeze %dma_wait3A_42 : memref<1x128xi32, #tpu.memory_space<vmem>> -> memref<128xi32, #tpu.memory_space<vmem>>
        %dma_wait3A_44 = arith.constant 0 : i32
        %dma_wait3A_45 = arith.constant 0 : i32
        %dma_wait3A_46 = tpu.memref_slice %arg2[%dma_wait3A, %dma_wait3A_44, %dma_wait3A_45] : memref<4x10240x128xf32, #tpu.memory_space<hbm>> -> memref<1x10240x128xf32, #tpu.memory_space<hbm>>
        %dma_wait3A_47 = tpu.memref_squeeze %dma_wait3A_46 : memref<1x10240x128xf32, #tpu.memory_space<hbm>> -> memref<10240x128xf32, #tpu.memory_space<hbm>>
        %dma_wait3A_48 = arith.constant 0 : i32
        %dma_wait3A_49 = arith.constant 0 : i32
        %dma_wait3A_50 = tpu.memref_slice %dma_wait3A_47[%dma_wait3A_48, %dma_wait3A_49] : memref<10240x128xf32, #tpu.memory_space<hbm>> -> memref<10240x128xf32, #tpu.memory_space<hbm>>
        tpu.wait_indirect_dma semaphore(%arg25 : memref<!tpu.dma_semaphore, #tpu.memory_space<semaphore_mem>>) src(%dma_wait3A_50 : memref<10240x128xf32, #tpu.memory_space<hbm>>) dst(%arg24 : memref<128x128xf32, #tpu.memory_space<vmem>>)
        "tpu.region"() ({
          %run_scoped3A_51 = tpu.sem_alloc : memref<!tpu.dma_semaphore, #tpu.memory_space<semaphore_mem>>
          %dma_start3A_52 = arith.constant 0 : i32
          %dma_start3A_53 = tpu.memref_slice %arg23[%scan3A_30, %dma_start3A_52] : memref<80x128xi32, #tpu.memory_space<vmem>> -> memref<1x128xi32, #tpu.memory_space<vmem>>
          %dma_start3A_54 = tpu.memref_squeeze %dma_start3A_53 : memref<1x128xi32, #tpu.memory_space<vmem>> -> memref<128xi32, #tpu.memory_space<vmem>>
          %dma_start3A_55 = arith.constant 0 : i32
          %dma_start3A_56 = arith.constant 0 : i32
          %dma_start3A_57 = tpu.memref_slice %arg26[%dma_start3A_55, %dma_start3A_56] : memref<10240x128xf32, #tpu.memory_space<vmem_shared>> -> memref<10240x128xf32, #tpu.memory_space<vmem_shared>>
          tpu.enqueue_indirect_dma source(%arg24 : memref<128x128xf32, #tpu.memory_space<vmem>>) target(%dma_start3A_57 : memref<10240x128xf32, #tpu.memory_space<vmem_shared>>) offsets(%dma_start3A_54 : memref<128xi32, #tpu.memory_space<vmem>>) semaphore(%run_scoped3A_51 : memref<!tpu.dma_semaphore, #tpu.memory_space<semaphore_mem>>) {add = true}
          %dma_wait3A_58 = arith.constant 0 : i32
          %dma_wait3A_59 = tpu.memref_slice %arg23[%scan3A_30, %dma_wait3A_58] : memref<80x128xi32, #tpu.memory_space<vmem>> -> memref<1x128xi32, #tpu.memory_space<vmem>>
          %dma_wait3A_60 = tpu.memref_squeeze %dma_wait3A_59 : memref<1x128xi32, #tpu.memory_space<vmem>> -> memref<128xi32, #tpu.memory_space<vmem>>
          %dma_wait3A_61 = arith.constant 0 : i32
          %dma_wait3A_62 = arith.constant 0 : i32
          %dma_wait3A_63 = tpu.memref_slice %arg26[%dma_wait3A_61, %dma_wait3A_62] : memref<10240x128xf32, #tpu.memory_space<vmem_shared>> -> memref<10240x128xf32, #tpu.memory_space<vmem_shared>>
          tpu.wait_indirect_dma semaphore(%run_scoped3A_51 : memref<!tpu.dma_semaphore, #tpu.memory_space<semaphore_mem>>) src(%arg24 : memref<128x128xf32, #tpu.memory_space<vmem>>) dst(%dma_wait3A_63 : memref<10240x128xf32, #tpu.memory_space<vmem_shared>>)
          tpu.yield
        }) : () -> ()
      }
      %scan3A_26 = arith.constant 80 : i32
      %barrier3A_27 = arith.constant 0 : index
      tpu.barrier barrier_id(%barrier3A_27)
      %run_scoped3A_28 = arith.constant 0 : i32
      "tpu.region"() ({
        %run_scoped3A_30 = tpu.sem_alloc : memref<!tpu.dma_semaphore, #tpu.memory_space<semaphore_mem>>
        %dma_start3A = arith.constant 0 : i32
        %dma_start3A_31 = tpu.memref_slice %arg5[%run_scoped3A_28, %mul3A_21, %dma_start3A] : memref<4x10240x128xf32, #tpu.memory_space<hbm>> -> memref<1x640x128xf32, #tpu.memory_space<hbm>>
        %dma_start3A_32 = tpu.memref_squeeze %dma_start3A_31 : memref<1x640x128xf32, #tpu.memory_space<hbm>> -> memref<640x128xf32, #tpu.memory_space<hbm>>
        %dma_start3A_33 = arith.constant 0 : i32
        %dma_start3A_34 = tpu.memref_slice %arg26[%mul3A_21, %dma_start3A_33] : memref<10240x128xf32, #tpu.memory_space<vmem_shared>> -> memref<640x128xf32, #tpu.memory_space<vmem_shared>>
        tpu.enqueue_dma source(%dma_start3A_34 : memref<640x128xf32, #tpu.memory_space<vmem_shared>>) target(%dma_start3A_32 : memref<640x128xf32, #tpu.memory_space<hbm>>) target_semaphore(%run_scoped3A_30 : memref<!tpu.dma_semaphore, #tpu.memory_space<semaphore_mem>>)
        %dma_wait3A = arith.constant 0 : i32
        %dma_wait3A_35 = tpu.memref_slice %arg5[%run_scoped3A_28, %mul3A_21, %dma_wait3A] : memref<4x10240x128xf32, #tpu.memory_space<hbm>> -> memref<1x640x128xf32, #tpu.memory_space<hbm>>
        %dma_wait3A_36 = tpu.memref_squeeze %dma_wait3A_35 : memref<1x640x128xf32, #tpu.memory_space<hbm>> -> memref<640x128xf32, #tpu.memory_space<hbm>>
        %dma_wait3A_37 = arith.constant 0 : i32
        %dma_wait3A_38 = tpu.memref_slice %arg26[%mul3A_21, %dma_wait3A_37] : memref<10240x128xf32, #tpu.memory_space<vmem_shared>> -> memref<640x128xf32, #tpu.memory_space<vmem_shared>>
        tpu.wait_dma2 semaphore(%run_scoped3A_30 : memref<!tpu.dma_semaphore, #tpu.memory_space<semaphore_mem>>) src(%dma_wait3A_38 : memref<640x128xf32, #tpu.memory_space<vmem_shared>>) dst(%dma_wait3A_36 : memref<640x128xf32, #tpu.memory_space<hbm>>)
        tpu.yield
      }) : () -> ()
      %barrier3A_29 = arith.constant 0 : index
      tpu.barrier barrier_id(%barrier3A_29)
    } else {
    }
    %eq3A_5 = arith.constant 1 : i32
    %eq3A_6 = arith.cmpi eq, %arg0, %eq3A_5 : i32
    %convert_element_type3A_7 = arith.extui %eq3A_6 : i1 to i32
    %cond3A_8 = arith.constant 0 : i32
    %cond3A_9 = arith.cmpi ne, %convert_element_type3A_7, %cond3A_8 : i32
    scf.if %cond3A_9 {
      %mul3A_20 = arith.constant 640 : i32
      %mul3A_21 = arith.muli %arg1, %mul3A_20 : i32
      %run_scoped3A = arith.constant 2 : i32
      "tpu.region"() ({
        %run_scoped3A_30 = tpu.sem_alloc : memref<!tpu.dma_semaphore, #tpu.memory_space<semaphore_mem>>
        %dma_start3A = arith.constant 0 : i32
        %dma_start3A_31 = tpu.memref_slice %arg26[%mul3A_21, %dma_start3A] : memref<10240x128xf32, #tpu.memory_space<vmem_shared>> -> memref<640x128xf32, #tpu.memory_space<vmem_shared>>
        %dma_start3A_32 = arith.constant 0 : i32
        %dma_start3A_33 = tpu.memref_slice %arg2[%run_scoped3A, %mul3A_21, %dma_start3A_32] : memref<4x10240x128xf32, #tpu.memory_space<hbm>> -> memref<1x640x128xf32, #tpu.memory_space<hbm>>
        %dma_start3A_34 = tpu.memref_squeeze %dma_start3A_33 : memref<1x640x128xf32, #tpu.memory_space<hbm>> -> memref<640x128xf32, #tpu.memory_space<hbm>>
        tpu.enqueue_dma source(%dma_start3A_34 : memref<640x128xf32, #tpu.memory_space<hbm>>) target(%dma_start3A_31 : memref<640x128xf32, #tpu.memory_space<vmem_shared>>) target_semaphore(%run_scoped3A_30 : memref<!tpu.dma_semaphore, #tpu.memory_space<semaphore_mem>>)
        %dma_wait3A = arith.constant 0 : i32
        %dma_wait3A_35 = tpu.memref_slice %arg26[%mul3A_21, %dma_wait3A] : memref<10240x128xf32, #tpu.memory_space<vmem_shared>> -> memref<640x128xf32, #tpu.memory_space<vmem_shared>>
        %dma_wait3A_36 = arith.constant 0 : i32
        %dma_wait3A_37 = tpu.memref_slice %arg2[%run_scoped3A, %mul3A_21, %dma_wait3A_36] : memref<4x10240x128xf32, #tpu.memory_space<hbm>> -> memref<1x640x128xf32, #tpu.memory_space<hbm>>
        %dma_wait3A_38 = tpu.memref_squeeze %dma_wait3A_37 : memref<1x640x128xf32, #tpu.memory_space<hbm>> -> memref<640x128xf32, #tpu.memory_space<hbm>>
        tpu.wait_dma2 semaphore(%run_scoped3A_30 : memref<!tpu.dma_semaphore, #tpu.memory_space<semaphore_mem>>) src(%dma_wait3A_38 : memref<640x128xf32, #tpu.memory_space<hbm>>) dst(%dma_wait3A_35 : memref<640x128xf32, #tpu.memory_space<vmem_shared>>)
        tpu.yield
      }) : () -> ()
      %barrier3A = arith.constant 0 : index
      tpu.barrier barrier_id(%barrier3A)
      %scan3A = arith.constant 0 : i32
      %scan3A_22 = arith.constant 0 : i32
      %scan3A_23 = arith.constant 80 : i32
      %scan3A_24 = arith.addi %scan3A_22, %scan3A_23 : i32
      %scan3A_25 = arith.constant 1 : i32
      scf.for %scan3A_30 = %scan3A_22 to %scan3A_24 step %scan3A_25  : i32 {
        %dma_start3A = arith.constant 2 : i32
        %dma_start3A_31 = arith.constant 0 : i32
        %dma_start3A_32 = tpu.memref_slice %arg22[%scan3A_30, %dma_start3A_31] : memref<80x128xi32, #tpu.memory_space<vmem>> -> memref<1x128xi32, #tpu.memory_space<vmem>>
        %dma_start3A_33 = tpu.memref_squeeze %dma_start3A_32 : memref<1x128xi32, #tpu.memory_space<vmem>> -> memref<128xi32, #tpu.memory_space<vmem>>
        %dma_start3A_34 = arith.constant 0 : i32
        %dma_start3A_35 = arith.constant 0 : i32
        %dma_start3A_36 = tpu.memref_slice %arg2[%dma_start3A, %dma_start3A_34, %dma_start3A_35] : memref<4x10240x128xf32, #tpu.memory_space<hbm>> -> memref<1x10240x128xf32, #tpu.memory_space<hbm>>
        %dma_start3A_37 = tpu.memref_squeeze %dma_start3A_36 : memref<1x10240x128xf32, #tpu.memory_space<hbm>> -> memref<10240x128xf32, #tpu.memory_space<hbm>>
        %dma_start3A_38 = arith.constant 0 : i32
        %dma_start3A_39 = arith.constant 0 : i32
        %dma_start3A_40 = tpu.memref_slice %dma_start3A_37[%dma_start3A_38, %dma_start3A_39] : memref<10240x128xf32, #tpu.memory_space<hbm>> -> memref<10240x128xf32, #tpu.memory_space<hbm>>
        tpu.enqueue_indirect_dma source(%dma_start3A_40 : memref<10240x128xf32, #tpu.memory_space<hbm>>) target(%arg24 : memref<128x128xf32, #tpu.memory_space<vmem>>) offsets(%dma_start3A_33 : memref<128xi32, #tpu.memory_space<vmem>>) semaphore(%arg25 : memref<!tpu.dma_semaphore, #tpu.memory_space<semaphore_mem>>)
        %dma_wait3A = arith.constant 2 : i32
        %dma_wait3A_41 = arith.constant 0 : i32
        %dma_wait3A_42 = tpu.memref_slice %arg22[%scan3A_30, %dma_wait3A_41] : memref<80x128xi32, #tpu.memory_space<vmem>> -> memref<1x128xi32, #tpu.memory_space<vmem>>
        %dma_wait3A_43 = tpu.memref_squeeze %dma_wait3A_42 : memref<1x128xi32, #tpu.memory_space<vmem>> -> memref<128xi32, #tpu.memory_space<vmem>>
        %dma_wait3A_44 = arith.constant 0 : i32
        %dma_wait3A_45 = arith.constant 0 : i32
        %dma_wait3A_46 = tpu.memref_slice %arg2[%dma_wait3A, %dma_wait3A_44, %dma_wait3A_45] : memref<4x10240x128xf32, #tpu.memory_space<hbm>> -> memref<1x10240x128xf32, #tpu.memory_space<hbm>>
        %dma_wait3A_47 = tpu.memref_squeeze %dma_wait3A_46 : memref<1x10240x128xf32, #tpu.memory_space<hbm>> -> memref<10240x128xf32, #tpu.memory_space<hbm>>
        %dma_wait3A_48 = arith.constant 0 : i32
        %dma_wait3A_49 = arith.constant 0 : i32
        %dma_wait3A_50 = tpu.memref_slice %dma_wait3A_47[%dma_wait3A_48, %dma_wait3A_49] : memref<10240x128xf32, #tpu.memory_space<hbm>> -> memref<10240x128xf32, #tpu.memory_space<hbm>>
        tpu.wait_indirect_dma semaphore(%arg25 : memref<!tpu.dma_semaphore, #tpu.memory_space<semaphore_mem>>) src(%dma_wait3A_50 : memref<10240x128xf32, #tpu.memory_space<hbm>>) dst(%arg24 : memref<128x128xf32, #tpu.memory_space<vmem>>)
        "tpu.region"() ({
          %run_scoped3A_51 = tpu.sem_alloc : memref<!tpu.dma_semaphore, #tpu.memory_space<semaphore_mem>>
          %dma_start3A_52 = arith.constant 0 : i32
          %dma_start3A_53 = tpu.memref_slice %arg23[%scan3A_30, %dma_start3A_52] : memref<80x128xi32, #tpu.memory_space<vmem>> -> memref<1x128xi32, #tpu.memory_space<vmem>>
          %dma_start3A_54 = tpu.memref_squeeze %dma_start3A_53 : memref<1x128xi32, #tpu.memory_space<vmem>> -> memref<128xi32, #tpu.memory_space<vmem>>
          %dma_start3A_55 = arith.constant 0 : i32
          %dma_start3A_56 = arith.constant 0 : i32
          %dma_start3A_57 = tpu.memref_slice %arg26[%dma_start3A_55, %dma_start3A_56] : memref<10240x128xf32, #tpu.memory_space<vmem_shared>> -> memref<10240x128xf32, #tpu.memory_space<vmem_shared>>
          tpu.enqueue_indirect_dma source(%arg24 : memref<128x128xf32, #tpu.memory_space<vmem>>) target(%dma_start3A_57 : memref<10240x128xf32, #tpu.memory_space<vmem_shared>>) offsets(%dma_start3A_54 : memref<128xi32, #tpu.memory_space<vmem>>) semaphore(%run_scoped3A_51 : memref<!tpu.dma_semaphore, #tpu.memory_space<semaphore_mem>>) {add = true}
          %dma_wait3A_58 = arith.constant 0 : i32
          %dma_wait3A_59 = tpu.memref_slice %arg23[%scan3A_30, %dma_wait3A_58] : memref<80x128xi32, #tpu.memory_space<vmem>> -> memref<1x128xi32, #tpu.memory_space<vmem>>
          %dma_wait3A_60 = tpu.memref_squeeze %dma_wait3A_59 : memref<1x128xi32, #tpu.memory_space<vmem>> -> memref<128xi32, #tpu.memory_space<vmem>>
          %dma_wait3A_61 = arith.constant 0 : i32
          %dma_wait3A_62 = arith.constant 0 : i32
          %dma_wait3A_63 = tpu.memref_slice %arg26[%dma_wait3A_61, %dma_wait3A_62] : memref<10240x128xf32, #tpu.memory_space<vmem_shared>> -> memref<10240x128xf32, #tpu.memory_space<vmem_shared>>
          tpu.wait_indirect_dma semaphore(%run_scoped3A_51 : memref<!tpu.dma_semaphore, #tpu.memory_space<semaphore_mem>>) src(%arg24 : memref<128x128xf32, #tpu.memory_space<vmem>>) dst(%dma_wait3A_63 : memref<10240x128xf32, #tpu.memory_space<vmem_shared>>)
          tpu.yield
        }) : () -> ()
      }
      %scan3A_26 = arith.constant 80 : i32
      %barrier3A_27 = arith.constant 0 : index
      tpu.barrier barrier_id(%barrier3A_27)
      %run_scoped3A_28 = arith.constant 2 : i32
      "tpu.region"() ({
        %run_scoped3A_30 = tpu.sem_alloc : memref<!tpu.dma_semaphore, #tpu.memory_space<semaphore_mem>>
        %dma_start3A = arith.constant 0 : i32
        %dma_start3A_31 = tpu.memref_slice %arg5[%run_scoped3A_28, %mul3A_21, %dma_start3A] : memref<4x10240x128xf32, #tpu.memory_space<hbm>> -> memref<1x640x128xf32, #tpu.memory_space<hbm>>
        %dma_start3A_32 = tpu.memref_squeeze %dma_start3A_31 : memref<1x640x128xf32, #tpu.memory_space<hbm>> -> memref<640x128xf32, #tpu.memory_space<hbm>>
        %dma_start3A_33 = arith.constant 0 : i32
        %dma_start3A_34 = tpu.memref_slice %arg26[%mul3A_21, %dma_start3A_33] : memref<10240x128xf32, #tpu.memory_space<vmem_shared>> -> memref<640x128xf32, #tpu.memory_space<vmem_shared>>
        tpu.enqueue_dma source(%dma_start3A_34 : memref<640x128xf32, #tpu.memory_space<vmem_shared>>) target(%dma_start3A_32 : memref<640x128xf32, #tpu.memory_space<hbm>>) target_semaphore(%run_scoped3A_30 : memref<!tpu.dma_semaphore, #tpu.memory_space<semaphore_mem>>)
        %dma_wait3A = arith.constant 0 : i32
        %dma_wait3A_35 = tpu.memref_slice %arg5[%run_scoped3A_28, %mul3A_21, %dma_wait3A] : memref<4x10240x128xf32, #tpu.memory_space<hbm>> -> memref<1x640x128xf32, #tpu.memory_space<hbm>>
        %dma_wait3A_36 = tpu.memref_squeeze %dma_wait3A_35 : memref<1x640x128xf32, #tpu.memory_space<hbm>> -> memref<640x128xf32, #tpu.memory_space<hbm>>
        %dma_wait3A_37 = arith.constant 0 : i32
        %dma_wait3A_38 = tpu.memref_slice %arg26[%mul3A_21, %dma_wait3A_37] : memref<10240x128xf32, #tpu.memory_space<vmem_shared>> -> memref<640x128xf32, #tpu.memory_space<vmem_shared>>
        tpu.wait_dma2 semaphore(%run_scoped3A_30 : memref<!tpu.dma_semaphore, #tpu.memory_space<semaphore_mem>>) src(%dma_wait3A_38 : memref<640x128xf32, #tpu.memory_space<vmem_shared>>) dst(%dma_wait3A_36 : memref<640x128xf32, #tpu.memory_space<hbm>>)
        tpu.yield
      }) : () -> ()
      %barrier3A_29 = arith.constant 0 : index
      tpu.barrier barrier_id(%barrier3A_29)
    } else {
    }
    %eq3A_10 = arith.constant 0 : i32
    %eq3A_11 = arith.cmpi eq, %arg0, %eq3A_10 : i32
    %convert_element_type3A_12 = arith.extui %eq3A_11 : i1 to i32
    %cond3A_13 = arith.constant 0 : i32
    %cond3A_14 = arith.cmpi ne, %convert_element_type3A_12, %cond3A_13 : i32
    scf.if %cond3A_14 {
      %mul3A_20 = arith.constant 640 : i32
      %mul3A_21 = arith.muli %arg1, %mul3A_20 : i32
      %run_scoped3A = arith.constant 1 : i32
      "tpu.region"() ({
        %run_scoped3A_30 = tpu.sem_alloc : memref<!tpu.dma_semaphore, #tpu.memory_space<semaphore_mem>>
        %dma_start3A = arith.constant 0 : i32
        %dma_start3A_31 = tpu.memref_slice %arg26[%mul3A_21, %dma_start3A] : memref<10240x128xf32, #tpu.memory_space<vmem_shared>> -> memref<640x128xf32, #tpu.memory_space<vmem_shared>>
        %dma_start3A_32 = arith.constant 0 : i32
        %dma_start3A_33 = tpu.memref_slice %arg2[%run_scoped3A, %mul3A_21, %dma_start3A_32] : memref<4x10240x128xf32, #tpu.memory_space<hbm>> -> memref<1x640x128xf32, #tpu.memory_space<hbm>>
        %dma_start3A_34 = tpu.memref_squeeze %dma_start3A_33 : memref<1x640x128xf32, #tpu.memory_space<hbm>> -> memref<640x128xf32, #tpu.memory_space<hbm>>
        tpu.enqueue_dma source(%dma_start3A_34 : memref<640x128xf32, #tpu.memory_space<hbm>>) target(%dma_start3A_31 : memref<640x128xf32, #tpu.memory_space<vmem_shared>>) target_semaphore(%run_scoped3A_30 : memref<!tpu.dma_semaphore, #tpu.memory_space<semaphore_mem>>)
        %dma_wait3A = arith.constant 0 : i32
        %dma_wait3A_35 = tpu.memref_slice %arg26[%mul3A_21, %dma_wait3A] : memref<10240x128xf32, #tpu.memory_space<vmem_shared>> -> memref<640x128xf32, #tpu.memory_space<vmem_shared>>
        %dma_wait3A_36 = arith.constant 0 : i32
        %dma_wait3A_37 = tpu.memref_slice %arg2[%run_scoped3A, %mul3A_21, %dma_wait3A_36] : memref<4x10240x128xf32, #tpu.memory_space<hbm>> -> memref<1x640x128xf32, #tpu.memory_space<hbm>>
        %dma_wait3A_38 = tpu.memref_squeeze %dma_wait3A_37 : memref<1x640x128xf32, #tpu.memory_space<hbm>> -> memref<640x128xf32, #tpu.memory_space<hbm>>
        tpu.wait_dma2 semaphore(%run_scoped3A_30 : memref<!tpu.dma_semaphore, #tpu.memory_space<semaphore_mem>>) src(%dma_wait3A_38 : memref<640x128xf32, #tpu.memory_space<hbm>>) dst(%dma_wait3A_35 : memref<640x128xf32, #tpu.memory_space<vmem_shared>>)
        tpu.yield
      }) : () -> ()
      %barrier3A = arith.constant 0 : index
      tpu.barrier barrier_id(%barrier3A)
      %scan3A = arith.constant 0 : i32
      %scan3A_22 = arith.constant 0 : i32
      %scan3A_23 = arith.constant 80 : i32
      %scan3A_24 = arith.addi %scan3A_22, %scan3A_23 : i32
      %scan3A_25 = arith.constant 1 : i32
      scf.for %scan3A_30 = %scan3A_22 to %scan3A_24 step %scan3A_25  : i32 {
        %dma_start3A = arith.constant 1 : i32
        %dma_start3A_31 = arith.constant 0 : i32
        %dma_start3A_32 = tpu.memref_slice %arg22[%scan3A_30, %dma_start3A_31] : memref<80x128xi32, #tpu.memory_space<vmem>> -> memref<1x128xi32, #tpu.memory_space<vmem>>
        %dma_start3A_33 = tpu.memref_squeeze %dma_start3A_32 : memref<1x128xi32, #tpu.memory_space<vmem>> -> memref<128xi32, #tpu.memory_space<vmem>>
        %dma_start3A_34 = arith.constant 0 : i32
        %dma_start3A_35 = arith.constant 0 : i32
        %dma_start3A_36 = tpu.memref_slice %arg2[%dma_start3A, %dma_start3A_34, %dma_start3A_35] : memref<4x10240x128xf32, #tpu.memory_space<hbm>> -> memref<1x10240x128xf32, #tpu.memory_space<hbm>>
        %dma_start3A_37 = tpu.memref_squeeze %dma_start3A_36 : memref<1x10240x128xf32, #tpu.memory_space<hbm>> -> memref<10240x128xf32, #tpu.memory_space<hbm>>
        %dma_start3A_38 = arith.constant 0 : i32
        %dma_start3A_39 = arith.constant 0 : i32
        %dma_start3A_40 = tpu.memref_slice %dma_start3A_37[%dma_start3A_38, %dma_start3A_39] : memref<10240x128xf32, #tpu.memory_space<hbm>> -> memref<10240x128xf32, #tpu.memory_space<hbm>>
        tpu.enqueue_indirect_dma source(%dma_start3A_40 : memref<10240x128xf32, #tpu.memory_space<hbm>>) target(%arg24 : memref<128x128xf32, #tpu.memory_space<vmem>>) offsets(%dma_start3A_33 : memref<128xi32, #tpu.memory_space<vmem>>) semaphore(%arg25 : memref<!tpu.dma_semaphore, #tpu.memory_space<semaphore_mem>>)
        %dma_wait3A = arith.constant 1 : i32
        %dma_wait3A_41 = arith.constant 0 : i32
        %dma_wait3A_42 = tpu.memref_slice %arg22[%scan3A_30, %dma_wait3A_41] : memref<80x128xi32, #tpu.memory_space<vmem>> -> memref<1x128xi32, #tpu.memory_space<vmem>>
        %dma_wait3A_43 = tpu.memref_squeeze %dma_wait3A_42 : memref<1x128xi32, #tpu.memory_space<vmem>> -> memref<128xi32, #tpu.memory_space<vmem>>
        %dma_wait3A_44 = arith.constant 0 : i32
        %dma_wait3A_45 = arith.constant 0 : i32
        %dma_wait3A_46 = tpu.memref_slice %arg2[%dma_wait3A, %dma_wait3A_44, %dma_wait3A_45] : memref<4x10240x128xf32, #tpu.memory_space<hbm>> -> memref<1x10240x128xf32, #tpu.memory_space<hbm>>
        %dma_wait3A_47 = tpu.memref_squeeze %dma_wait3A_46 : memref<1x10240x128xf32, #tpu.memory_space<hbm>> -> memref<10240x128xf32, #tpu.memory_space<hbm>>
        %dma_wait3A_48 = arith.constant 0 : i32
        %dma_wait3A_49 = arith.constant 0 : i32
        %dma_wait3A_50 = tpu.memref_slice %dma_wait3A_47[%dma_wait3A_48, %dma_wait3A_49] : memref<10240x128xf32, #tpu.memory_space<hbm>> -> memref<10240x128xf32, #tpu.memory_space<hbm>>
        tpu.wait_indirect_dma semaphore(%arg25 : memref<!tpu.dma_semaphore, #tpu.memory_space<semaphore_mem>>) src(%dma_wait3A_50 : memref<10240x128xf32, #tpu.memory_space<hbm>>) dst(%arg24 : memref<128x128xf32, #tpu.memory_space<vmem>>)
        "tpu.region"() ({
          %run_scoped3A_51 = tpu.sem_alloc : memref<!tpu.dma_semaphore, #tpu.memory_space<semaphore_mem>>
          %dma_start3A_52 = arith.constant 0 : i32
          %dma_start3A_53 = tpu.memref_slice %arg23[%scan3A_30, %dma_start3A_52] : memref<80x128xi32, #tpu.memory_space<vmem>> -> memref<1x128xi32, #tpu.memory_space<vmem>>
          %dma_start3A_54 = tpu.memref_squeeze %dma_start3A_53 : memref<1x128xi32, #tpu.memory_space<vmem>> -> memref<128xi32, #tpu.memory_space<vmem>>
          %dma_start3A_55 = arith.constant 0 : i32
          %dma_start3A_56 = arith.constant 0 : i32
          %dma_start3A_57 = tpu.memref_slice %arg26[%dma_start3A_55, %dma_start3A_56] : memref<10240x128xf32, #tpu.memory_space<vmem_shared>> -> memref<10240x128xf32, #tpu.memory_space<vmem_shared>>
          tpu.enqueue_indirect_dma source(%arg24 : memref<128x128xf32, #tpu.memory_space<vmem>>) target(%dma_start3A_57 : memref<10240x128xf32, #tpu.memory_space<vmem_shared>>) offsets(%dma_start3A_54 : memref<128xi32, #tpu.memory_space<vmem>>) semaphore(%run_scoped3A_51 : memref<!tpu.dma_semaphore, #tpu.memory_space<semaphore_mem>>) {add = true}
          %dma_wait3A_58 = arith.constant 0 : i32
          %dma_wait3A_59 = tpu.memref_slice %arg23[%scan3A_30, %dma_wait3A_58] : memref<80x128xi32, #tpu.memory_space<vmem>> -> memref<1x128xi32, #tpu.memory_space<vmem>>
          %dma_wait3A_60 = tpu.memref_squeeze %dma_wait3A_59 : memref<1x128xi32, #tpu.memory_space<vmem>> -> memref<128xi32, #tpu.memory_space<vmem>>
          %dma_wait3A_61 = arith.constant 0 : i32
          %dma_wait3A_62 = arith.constant 0 : i32
          %dma_wait3A_63 = tpu.memref_slice %arg26[%dma_wait3A_61, %dma_wait3A_62] : memref<10240x128xf32, #tpu.memory_space<vmem_shared>> -> memref<10240x128xf32, #tpu.memory_space<vmem_shared>>
          tpu.wait_indirect_dma semaphore(%run_scoped3A_51 : memref<!tpu.dma_semaphore, #tpu.memory_space<semaphore_mem>>) src(%arg24 : memref<128x128xf32, #tpu.memory_space<vmem>>) dst(%dma_wait3A_63 : memref<10240x128xf32, #tpu.memory_space<vmem_shared>>)
          tpu.yield
        }) : () -> ()
      }
      %scan3A_26 = arith.constant 80 : i32
      %barrier3A_27 = arith.constant 0 : index
      tpu.barrier barrier_id(%barrier3A_27)
      %run_scoped3A_28 = arith.constant 1 : i32
      "tpu.region"() ({
        %run_scoped3A_30 = tpu.sem_alloc : memref<!tpu.dma_semaphore, #tpu.memory_space<semaphore_mem>>
        %dma_start3A = arith.constant 0 : i32
        %dma_start3A_31 = tpu.memref_slice %arg5[%run_scoped3A_28, %mul3A_21, %dma_start3A] : memref<4x10240x128xf32, #tpu.memory_space<hbm>> -> memref<1x640x128xf32, #tpu.memory_space<hbm>>
        %dma_start3A_32 = tpu.memref_squeeze %dma_start3A_31 : memref<1x640x128xf32, #tpu.memory_space<hbm>> -> memref<640x128xf32, #tpu.memory_space<hbm>>
        %dma_start3A_33 = arith.constant 0 : i32
        %dma_start3A_34 = tpu.memref_slice %arg26[%mul3A_21, %dma_start3A_33] : memref<10240x128xf32, #tpu.memory_space<vmem_shared>> -> memref<640x128xf32, #tpu.memory_space<vmem_shared>>
        tpu.enqueue_dma source(%dma_start3A_34 : memref<640x128xf32, #tpu.memory_space<vmem_shared>>) target(%dma_start3A_32 : memref<640x128xf32, #tpu.memory_space<hbm>>) target_semaphore(%run_scoped3A_30 : memref<!tpu.dma_semaphore, #tpu.memory_space<semaphore_mem>>)
        %dma_wait3A = arith.constant 0 : i32
        %dma_wait3A_35 = tpu.memref_slice %arg5[%run_scoped3A_28, %mul3A_21, %dma_wait3A] : memref<4x10240x128xf32, #tpu.memory_space<hbm>> -> memref<1x640x128xf32, #tpu.memory_space<hbm>>
        %dma_wait3A_36 = tpu.memref_squeeze %dma_wait3A_35 : memref<1x640x128xf32, #tpu.memory_space<hbm>> -> memref<640x128xf32, #tpu.memory_space<hbm>>
        %dma_wait3A_37 = arith.constant 0 : i32
        %dma_wait3A_38 = tpu.memref_slice %arg26[%mul3A_21, %dma_wait3A_37] : memref<10240x128xf32, #tpu.memory_space<vmem_shared>> -> memref<640x128xf32, #tpu.memory_space<vmem_shared>>
        tpu.wait_dma2 semaphore(%run_scoped3A_30 : memref<!tpu.dma_semaphore, #tpu.memory_space<semaphore_mem>>) src(%dma_wait3A_38 : memref<640x128xf32, #tpu.memory_space<vmem_shared>>) dst(%dma_wait3A_36 : memref<640x128xf32, #tpu.memory_space<hbm>>)
        tpu.yield
      }) : () -> ()
      %barrier3A_29 = arith.constant 0 : index
      tpu.barrier barrier_id(%barrier3A_29)
    } else {
    }
    %eq3A_15 = arith.constant 1 : i32
    %eq3A_16 = arith.cmpi eq, %arg0, %eq3A_15 : i32
    %convert_element_type3A_17 = arith.extui %eq3A_16 : i1 to i32
    %cond3A_18 = arith.constant 0 : i32
    %cond3A_19 = arith.cmpi ne, %convert_element_type3A_17, %cond3A_18 : i32
    scf.if %cond3A_19 {
      %mul3A_20 = arith.constant 640 : i32
      %mul3A_21 = arith.muli %arg1, %mul3A_20 : i32
      %run_scoped3A = arith.constant 3 : i32
      "tpu.region"() ({
        %run_scoped3A_30 = tpu.sem_alloc : memref<!tpu.dma_semaphore, #tpu.memory_space<semaphore_mem>>
        %dma_start3A = arith.constant 0 : i32
        %dma_start3A_31 = tpu.memref_slice %arg26[%mul3A_21, %dma_start3A] : memref<10240x128xf32, #tpu.memory_space<vmem_shared>> -> memref<640x128xf32, #tpu.memory_space<vmem_shared>>
        %dma_start3A_32 = arith.constant 0 : i32
        %dma_start3A_33 = tpu.memref_slice %arg2[%run_scoped3A, %mul3A_21, %dma_start3A_32] : memref<4x10240x128xf32, #tpu.memory_space<hbm>> -> memref<1x640x128xf32, #tpu.memory_space<hbm>>
        %dma_start3A_34 = tpu.memref_squeeze %dma_start3A_33 : memref<1x640x128xf32, #tpu.memory_space<hbm>> -> memref<640x128xf32, #tpu.memory_space<hbm>>
        tpu.enqueue_dma source(%dma_start3A_34 : memref<640x128xf32, #tpu.memory_space<hbm>>) target(%dma_start3A_31 : memref<640x128xf32, #tpu.memory_space<vmem_shared>>) target_semaphore(%run_scoped3A_30 : memref<!tpu.dma_semaphore, #tpu.memory_space<semaphore_mem>>)
        %dma_wait3A = arith.constant 0 : i32
        %dma_wait3A_35 = tpu.memref_slice %arg26[%mul3A_21, %dma_wait3A] : memref<10240x128xf32, #tpu.memory_space<vmem_shared>> -> memref<640x128xf32, #tpu.memory_space<vmem_shared>>
        %dma_wait3A_36 = arith.constant 0 : i32
        %dma_wait3A_37 = tpu.memref_slice %arg2[%run_scoped3A, %mul3A_21, %dma_wait3A_36] : memref<4x10240x128xf32, #tpu.memory_space<hbm>> -> memref<1x640x128xf32, #tpu.memory_space<hbm>>
        %dma_wait3A_38 = tpu.memref_squeeze %dma_wait3A_37 : memref<1x640x128xf32, #tpu.memory_space<hbm>> -> memref<640x128xf32, #tpu.memory_space<hbm>>
        tpu.wait_dma2 semaphore(%run_scoped3A_30 : memref<!tpu.dma_semaphore, #tpu.memory_space<semaphore_mem>>) src(%dma_wait3A_38 : memref<640x128xf32, #tpu.memory_space<hbm>>) dst(%dma_wait3A_35 : memref<640x128xf32, #tpu.memory_space<vmem_shared>>)
        tpu.yield
      }) : () -> ()
      %barrier3A = arith.constant 0 : index
      tpu.barrier barrier_id(%barrier3A)
      %scan3A = arith.constant 0 : i32
      %scan3A_22 = arith.constant 0 : i32
      %scan3A_23 = arith.constant 80 : i32
      %scan3A_24 = arith.addi %scan3A_22, %scan3A_23 : i32
      %scan3A_25 = arith.constant 1 : i32
      scf.for %scan3A_30 = %scan3A_22 to %scan3A_24 step %scan3A_25  : i32 {
        %dma_start3A = arith.constant 3 : i32
        %dma_start3A_31 = arith.constant 0 : i32
        %dma_start3A_32 = tpu.memref_slice %arg22[%scan3A_30, %dma_start3A_31] : memref<80x128xi32, #tpu.memory_space<vmem>> -> memref<1x128xi32, #tpu.memory_space<vmem>>
        %dma_start3A_33 = tpu.memref_squeeze %dma_start3A_32 : memref<1x128xi32, #tpu.memory_space<vmem>> -> memref<128xi32, #tpu.memory_space<vmem>>
        %dma_start3A_34 = arith.constant 0 : i32
        %dma_start3A_35 = arith.constant 0 : i32
        %dma_start3A_36 = tpu.memref_slice %arg2[%dma_start3A, %dma_start3A_34, %dma_start3A_35] : memref<4x10240x128xf32, #tpu.memory_space<hbm>> -> memref<1x10240x128xf32, #tpu.memory_space<hbm>>
        %dma_start3A_37 = tpu.memref_squeeze %dma_start3A_36 : memref<1x10240x128xf32, #tpu.memory_space<hbm>> -> memref<10240x128xf32, #tpu.memory_space<hbm>>
        %dma_start3A_38 = arith.constant 0 : i32
        %dma_start3A_39 = arith.constant 0 : i32
        %dma_start3A_40 = tpu.memref_slice %dma_start3A_37[%dma_start3A_38, %dma_start3A_39] : memref<10240x128xf32, #tpu.memory_space<hbm>> -> memref<10240x128xf32, #tpu.memory_space<hbm>>
        tpu.enqueue_indirect_dma source(%dma_start3A_40 : memref<10240x128xf32, #tpu.memory_space<hbm>>) target(%arg24 : memref<128x128xf32, #tpu.memory_space<vmem>>) offsets(%dma_start3A_33 : memref<128xi32, #tpu.memory_space<vmem>>) semaphore(%arg25 : memref<!tpu.dma_semaphore, #tpu.memory_space<semaphore_mem>>)
        %dma_wait3A = arith.constant 3 : i32
        %dma_wait3A_41 = arith.constant 0 : i32
        %dma_wait3A_42 = tpu.memref_slice %arg22[%scan3A_30, %dma_wait3A_41] : memref<80x128xi32, #tpu.memory_space<vmem>> -> memref<1x128xi32, #tpu.memory_space<vmem>>
        %dma_wait3A_43 = tpu.memref_squeeze %dma_wait3A_42 : memref<1x128xi32, #tpu.memory_space<vmem>> -> memref<128xi32, #tpu.memory_space<vmem>>
        %dma_wait3A_44 = arith.constant 0 : i32
        %dma_wait3A_45 = arith.constant 0 : i32
        %dma_wait3A_46 = tpu.memref_slice %arg2[%dma_wait3A, %dma_wait3A_44, %dma_wait3A_45] : memref<4x10240x128xf32, #tpu.memory_space<hbm>> -> memref<1x10240x128xf32, #tpu.memory_space<hbm>>
        %dma_wait3A_47 = tpu.memref_squeeze %dma_wait3A_46 : memref<1x10240x128xf32, #tpu.memory_space<hbm>> -> memref<10240x128xf32, #tpu.memory_space<hbm>>
        %dma_wait3A_48 = arith.constant 0 : i32
        %dma_wait3A_49 = arith.constant 0 : i32
        %dma_wait3A_50 = tpu.memref_slice %dma_wait3A_47[%dma_wait3A_48, %dma_wait3A_49] : memref<10240x128xf32, #tpu.memory_space<hbm>> -> memref<10240x128xf32, #tpu.memory_space<hbm>>
        tpu.wait_indirect_dma semaphore(%arg25 : memref<!tpu.dma_semaphore, #tpu.memory_space<semaphore_mem>>) src(%dma_wait3A_50 : memref<10240x128xf32, #tpu.memory_space<hbm>>) dst(%arg24 : memref<128x128xf32, #tpu.memory_space<vmem>>)
        "tpu.region"() ({
          %run_scoped3A_51 = tpu.sem_alloc : memref<!tpu.dma_semaphore, #tpu.memory_space<semaphore_mem>>
          %dma_start3A_52 = arith.constant 0 : i32
          %dma_start3A_53 = tpu.memref_slice %arg23[%scan3A_30, %dma_start3A_52] : memref<80x128xi32, #tpu.memory_space<vmem>> -> memref<1x128xi32, #tpu.memory_space<vmem>>
          %dma_start3A_54 = tpu.memref_squeeze %dma_start3A_53 : memref<1x128xi32, #tpu.memory_space<vmem>> -> memref<128xi32, #tpu.memory_space<vmem>>
          %dma_start3A_55 = arith.constant 0 : i32
          %dma_start3A_56 = arith.constant 0 : i32
          %dma_start3A_57 = tpu.memref_slice %arg26[%dma_start3A_55, %dma_start3A_56] : memref<10240x128xf32, #tpu.memory_space<vmem_shared>> -> memref<10240x128xf32, #tpu.memory_space<vmem_shared>>
          tpu.enqueue_indirect_dma source(%arg24 : memref<128x128xf32, #tpu.memory_space<vmem>>) target(%dma_start3A_57 : memref<10240x128xf32, #tpu.memory_space<vmem_shared>>) offsets(%dma_start3A_54 : memref<128xi32, #tpu.memory_space<vmem>>) semaphore(%run_scoped3A_51 : memref<!tpu.dma_semaphore, #tpu.memory_space<semaphore_mem>>) {add = true}
          %dma_wait3A_58 = arith.constant 0 : i32
          %dma_wait3A_59 = tpu.memref_slice %arg23[%scan3A_30, %dma_wait3A_58] : memref<80x128xi32, #tpu.memory_space<vmem>> -> memref<1x128xi32, #tpu.memory_space<vmem>>
          %dma_wait3A_60 = tpu.memref_squeeze %dma_wait3A_59 : memref<1x128xi32, #tpu.memory_space<vmem>> -> memref<128xi32, #tpu.memory_space<vmem>>
          %dma_wait3A_61 = arith.constant 0 : i32
          %dma_wait3A_62 = arith.constant 0 : i32
          %dma_wait3A_63 = tpu.memref_slice %arg26[%dma_wait3A_61, %dma_wait3A_62] : memref<10240x128xf32, #tpu.memory_space<vmem_shared>> -> memref<10240x128xf32, #tpu.memory_space<vmem_shared>>
          tpu.wait_indirect_dma semaphore(%run_scoped3A_51 : memref<!tpu.dma_semaphore, #tpu.memory_space<semaphore_mem>>) src(%arg24 : memref<128x128xf32, #tpu.memory_space<vmem>>) dst(%dma_wait3A_63 : memref<10240x128xf32, #tpu.memory_space<vmem_shared>>)
          tpu.yield
        }) : () -> ()
      }
      %scan3A_26 = arith.constant 80 : i32
      %barrier3A_27 = arith.constant 0 : index
      tpu.barrier barrier_id(%barrier3A_27)
      %run_scoped3A_28 = arith.constant 3 : i32
      "tpu.region"() ({
        %run_scoped3A_30 = tpu.sem_alloc : memref<!tpu.dma_semaphore, #tpu.memory_space<semaphore_mem>>
        %dma_start3A = arith.constant 0 : i32
        %dma_start3A_31 = tpu.memref_slice %arg5[%run_scoped3A_28, %mul3A_21, %dma_start3A] : memref<4x10240x128xf32, #tpu.memory_space<hbm>> -> memref<1x640x128xf32, #tpu.memory_space<hbm>>
        %dma_start3A_32 = tpu.memref_squeeze %dma_start3A_31 : memref<1x640x128xf32, #tpu.memory_space<hbm>> -> memref<640x128xf32, #tpu.memory_space<hbm>>
        %dma_start3A_33 = arith.constant 0 : i32
        %dma_start3A_34 = tpu.memref_slice %arg26[%mul3A_21, %dma_start3A_33] : memref<10240x128xf32, #tpu.memory_space<vmem_shared>> -> memref<640x128xf32, #tpu.memory_space<vmem_shared>>
        tpu.enqueue_dma source(%dma_start3A_34 : memref<640x128xf32, #tpu.memory_space<vmem_shared>>) target(%dma_start3A_32 : memref<640x128xf32, #tpu.memory_space<hbm>>) target_semaphore(%run_scoped3A_30 : memref<!tpu.dma_semaphore, #tpu.memory_space<semaphore_mem>>)
        %dma_wait3A = arith.constant 0 : i32
        %dma_wait3A_35 = tpu.memref_slice %arg5[%run_scoped3A_28, %mul3A_21, %dma_wait3A] : memref<4x10240x128xf32, #tpu.memory_space<hbm>> -> memref<1x640x128xf32, #tpu.memory_space<hbm>>
        %dma_wait3A_36 = tpu.memref_squeeze %dma_wait3A_35 : memref<1x640x128xf32, #tpu.memory_space<hbm>> -> memref<640x128xf32, #tpu.memory_space<hbm>>
        %dma_wait3A_37 = arith.constant 0 : i32
        %dma_wait3A_38 = tpu.memref_slice %arg26[%mul3A_21, %dma_wait3A_37] : memref<10240x128xf32, #tpu.memory_space<vmem_shared>> -> memref<640x128xf32, #tpu.memory_space<vmem_shared>>
        tpu.wait_dma2 semaphore(%run_scoped3A_30 : memref<!tpu.dma_semaphore, #tpu.memory_space<semaphore_mem>>) src(%dma_wait3A_38 : memref<640x128xf32, #tpu.memory_space<vmem_shared>>) dst(%dma_wait3A_36 : memref<640x128xf32, #tpu.memory_space<hbm>>)
        tpu.yield
      }) : () -> ()
      %barrier3A_29 = arith.constant 0 : index
      tpu.barrier barrier_id(%barrier3A_29)
    } else {
    }
    return
  }
}

#map = affine_map<(d0, d1) -> (0, 0, 0)>
#map1 = affine_map<(d0, d1) -> (0, 0)>
module attributes {stable_mosaic.version = 14 : i64} {
  func.func @body(%arg0: i32, %arg1: i32, %arg2: memref<2x10240x128xf32, #tpu.memory_space<hbm>>, %arg3: memref<1280x128xi32, #tpu.memory_space<hbm>>, %arg4: memref<1280x128xi32, #tpu.memory_space<hbm>>, %arg5: memref<2x10240x128xf32, #tpu.memory_space<hbm>>, %arg6: memref<!tpu.dma_semaphore, #tpu.memory_space<semaphore_mem>>, %arg7: memref<!tpu.dma_semaphore, #tpu.memory_space<semaphore_mem>>, %arg8: memref<!tpu.dma_semaphore, #tpu.memory_space<semaphore_mem>>, %arg9: memref<!tpu.dma_semaphore, #tpu.memory_space<semaphore_mem>>, %arg10: memref<!tpu.dma_semaphore, #tpu.memory_space<semaphore_mem>>, %arg11: memref<!tpu.dma_semaphore, #tpu.memory_space<semaphore_mem>>, %arg12: memref<!tpu.dma_semaphore, #tpu.memory_space<semaphore_mem>>, %arg13: memref<!tpu.dma_semaphore, #tpu.memory_space<semaphore_mem>>, %arg14: memref<!tpu.dma_semaphore, #tpu.memory_space<semaphore_mem>>, %arg15: memref<!tpu.dma_semaphore, #tpu.memory_space<semaphore_mem>>, %arg16: memref<!tpu.dma_semaphore, #tpu.memory_space<semaphore_mem>>, %arg17: memref<!tpu.dma_semaphore, #tpu.memory_space<semaphore_mem>>, %arg18: memref<!tpu.dma_semaphore, #tpu.memory_space<semaphore_mem>>, %arg19: memref<!tpu.dma_semaphore, #tpu.memory_space<semaphore_mem>>, %arg20: memref<!tpu.dma_semaphore, #tpu.memory_space<semaphore_mem>>, %arg21: memref<!tpu.dma_semaphore, #tpu.memory_space<semaphore_mem>>, %arg22: memref<80x128xi32, #tpu.memory_space<vmem>>, %arg23: memref<80x128xi32, #tpu.memory_space<vmem>>, %arg24: memref<128x128xf32, #tpu.memory_space<vmem>>, %arg25: memref<!tpu.dma_semaphore, #tpu.memory_space<semaphore_mem>>, %arg26: memref<10240x128xf32, #tpu.memory_space<vmem_shared>>) attributes {dimension_semantics = [#tpu.dimension_semantics<core_parallel>, #tpu.dimension_semantics<subcore_parallel>], iteration_bounds = array<i64: 2, 16>, scalar_prefetch = 0 : i64, scratch_operands = 21 : i64, tpu.core_type = #tpu.core_type<sc_vector_subcore>, window_params = [{transform_indices = #map}, {transform_indices = #map1}, {transform_indices = #map1}, {transform_indices = #map}]} {
    %mul3A = arith.constant 80 : i32
    %mul3A_0 = arith.muli %arg1, %mul3A : i32
    "tpu.region"() ({
      %run_scoped3A = tpu.sem_alloc : memref<!tpu.dma_semaphore, #tpu.memory_space<semaphore_mem>>
      %dma_start3A = arith.constant 0 : i32
      %dma_start3A_10 = tpu.memref_slice %arg3[%mul3A_0, %dma_start3A] : memref<1280x128xi32, #tpu.memory_space<hbm>> -> memref<80x128xi32, #tpu.memory_space<hbm>>
      %dma_start3A_11 = arith.constant 0 : i32
      %dma_start3A_12 = tpu.memref_slice %arg3[%mul3A_0, %dma_start3A_11] : memref<1280x128xi32, #tpu.memory_space<hbm>> -> memref<80x128xi32, #tpu.memory_space<hbm>>
      tpu.enqueue_dma source(%dma_start3A_12 : memref<80x128xi32, #tpu.memory_space<hbm>>) target(%arg22 : memref<80x128xi32, #tpu.memory_space<vmem>>) target_semaphore(%run_scoped3A : memref<!tpu.dma_semaphore, #tpu.memory_space<semaphore_mem>>)
      %dma_wait3A = arith.constant 0 : i32
      %dma_wait3A_13 = tpu.memref_slice %arg3[%mul3A_0, %dma_wait3A] : memref<1280x128xi32, #tpu.memory_space<hbm>> -> memref<80x128xi32, #tpu.memory_space<hbm>>
      %dma_wait3A_14 = arith.constant 0 : i32
      %dma_wait3A_15 = tpu.memref_slice %arg3[%mul3A_0, %dma_wait3A_14] : memref<1280x128xi32, #tpu.memory_space<hbm>> -> memref<80x128xi32, #tpu.memory_space<hbm>>
      tpu.wait_dma2 semaphore(%run_scoped3A : memref<!tpu.dma_semaphore, #tpu.memory_space<semaphore_mem>>) src(%dma_wait3A_15 : memref<80x128xi32, #tpu.memory_space<hbm>>) dst(%arg22 : memref<80x128xi32, #tpu.memory_space<vmem>>)
      tpu.yield
    }) : () -> ()
    %mul3A_1 = arith.constant 80 : i32
    %mul3A_2 = arith.muli %arg1, %mul3A_1 : i32
    "tpu.region"() ({
      %run_scoped3A = tpu.sem_alloc : memref<!tpu.dma_semaphore, #tpu.memory_space<semaphore_mem>>
      %dma_start3A = arith.constant 0 : i32
      %dma_start3A_10 = tpu.memref_slice %arg4[%mul3A_2, %dma_start3A] : memref<1280x128xi32, #tpu.memory_space<hbm>> -> memref<80x128xi32, #tpu.memory_space<hbm>>
      %dma_start3A_11 = arith.constant 0 : i32
      %dma_start3A_12 = tpu.memref_slice %arg4[%mul3A_2, %dma_start3A_11] : memref<1280x128xi32, #tpu.memory_space<hbm>> -> memref<80x128xi32, #tpu.memory_space<hbm>>
      tpu.enqueue_dma source(%dma_start3A_12 : memref<80x128xi32, #tpu.memory_space<hbm>>) target(%arg23 : memref<80x128xi32, #tpu.memory_space<vmem>>) target_semaphore(%run_scoped3A : memref<!tpu.dma_semaphore, #tpu.memory_space<semaphore_mem>>)
      %dma_wait3A = arith.constant 0 : i32
      %dma_wait3A_13 = tpu.memref_slice %arg4[%mul3A_2, %dma_wait3A] : memref<1280x128xi32, #tpu.memory_space<hbm>> -> memref<80x128xi32, #tpu.memory_space<hbm>>
      %dma_wait3A_14 = arith.constant 0 : i32
      %dma_wait3A_15 = tpu.memref_slice %arg4[%mul3A_2, %dma_wait3A_14] : memref<1280x128xi32, #tpu.memory_space<hbm>> -> memref<80x128xi32, #tpu.memory_space<hbm>>
      tpu.wait_dma2 semaphore(%run_scoped3A : memref<!tpu.dma_semaphore, #tpu.memory_space<semaphore_mem>>) src(%dma_wait3A_15 : memref<80x128xi32, #tpu.memory_space<hbm>>) dst(%arg23 : memref<80x128xi32, #tpu.memory_space<vmem>>)
      tpu.yield
    }) : () -> ()
    %eq3A = arith.constant 0 : i32
    %eq3A_3 = arith.cmpi eq, %arg0, %eq3A : i32
    %convert_element_type3A = arith.extui %eq3A_3 : i1 to i32
    %cond3A = arith.constant 0 : i32
    %cond3A_4 = arith.cmpi ne, %convert_element_type3A, %cond3A : i32
    scf.if %cond3A_4 {
      %mul3A_10 = arith.constant 640 : i32
      %mul3A_11 = arith.muli %arg1, %mul3A_10 : i32
      %run_scoped3A = arith.constant 0 : i32
      "tpu.region"() ({
        %run_scoped3A_20 = tpu.sem_alloc : memref<!tpu.dma_semaphore, #tpu.memory_space<semaphore_mem>>
        %dma_start3A = arith.constant 0 : i32
        %dma_start3A_21 = tpu.memref_slice %arg26[%mul3A_11, %dma_start3A] : memref<10240x128xf32, #tpu.memory_space<vmem_shared>> -> memref<640x128xf32, #tpu.memory_space<vmem_shared>>
        %dma_start3A_22 = arith.constant 0 : i32
        %dma_start3A_23 = tpu.memref_slice %arg2[%run_scoped3A, %mul3A_11, %dma_start3A_22] : memref<2x10240x128xf32, #tpu.memory_space<hbm>> -> memref<1x640x128xf32, #tpu.memory_space<hbm>>
        %dma_start3A_24 = tpu.memref_squeeze %dma_start3A_23 : memref<1x640x128xf32, #tpu.memory_space<hbm>> -> memref<640x128xf32, #tpu.memory_space<hbm>>
        tpu.enqueue_dma source(%dma_start3A_24 : memref<640x128xf32, #tpu.memory_space<hbm>>) target(%dma_start3A_21 : memref<640x128xf32, #tpu.memory_space<vmem_shared>>) target_semaphore(%run_scoped3A_20 : memref<!tpu.dma_semaphore, #tpu.memory_space<semaphore_mem>>)
        %dma_wait3A = arith.constant 0 : i32
        %dma_wait3A_25 = tpu.memref_slice %arg26[%mul3A_11, %dma_wait3A] : memref<10240x128xf32, #tpu.memory_space<vmem_shared>> -> memref<640x128xf32, #tpu.memory_space<vmem_shared>>
        %dma_wait3A_26 = arith.constant 0 : i32
        %dma_wait3A_27 = tpu.memref_slice %arg2[%run_scoped3A, %mul3A_11, %dma_wait3A_26] : memref<2x10240x128xf32, #tpu.memory_space<hbm>> -> memref<1x640x128xf32, #tpu.memory_space<hbm>>
        %dma_wait3A_28 = tpu.memref_squeeze %dma_wait3A_27 : memref<1x640x128xf32, #tpu.memory_space<hbm>> -> memref<640x128xf32, #tpu.memory_space<hbm>>
        tpu.wait_dma2 semaphore(%run_scoped3A_20 : memref<!tpu.dma_semaphore, #tpu.memory_space<semaphore_mem>>) src(%dma_wait3A_28 : memref<640x128xf32, #tpu.memory_space<hbm>>) dst(%dma_wait3A_25 : memref<640x128xf32, #tpu.memory_space<vmem_shared>>)
        tpu.yield
      }) : () -> ()
      %barrier3A = arith.constant 0 : index
      tpu.barrier barrier_id(%barrier3A)
      %scan3A = arith.constant 0 : i32
      %scan3A_12 = arith.constant 0 : i32
      %scan3A_13 = arith.constant 80 : i32
      %scan3A_14 = arith.addi %scan3A_12, %scan3A_13 : i32
      %scan3A_15 = arith.constant 1 : i32
      scf.for %scan3A_20 = %scan3A_12 to %scan3A_14 step %scan3A_15  : i32 {
        %dma_start3A = arith.constant 0 : i32
        %dma_start3A_21 = arith.constant 0 : i32
        %dma_start3A_22 = tpu.memref_slice %arg22[%scan3A_20, %dma_start3A_21] : memref<80x128xi32, #tpu.memory_space<vmem>> -> memref<1x128xi32, #tpu.memory_space<vmem>>
        %dma_start3A_23 = tpu.memref_squeeze %dma_start3A_22 : memref<1x128xi32, #tpu.memory_space<vmem>> -> memref<128xi32, #tpu.memory_space<vmem>>
        %dma_start3A_24 = arith.constant 0 : i32
        %dma_start3A_25 = arith.constant 0 : i32
        %dma_start3A_26 = tpu.memref_slice %arg2[%dma_start3A, %dma_start3A_24, %dma_start3A_25] : memref<2x10240x128xf32, #tpu.memory_space<hbm>> -> memref<1x10240x128xf32, #tpu.memory_space<hbm>>
        %dma_start3A_27 = tpu.memref_squeeze %dma_start3A_26 : memref<1x10240x128xf32, #tpu.memory_space<hbm>> -> memref<10240x128xf32, #tpu.memory_space<hbm>>
        %dma_start3A_28 = arith.constant 0 : i32
        %dma_start3A_29 = arith.constant 0 : i32
        %dma_start3A_30 = tpu.memref_slice %dma_start3A_27[%dma_start3A_28, %dma_start3A_29] : memref<10240x128xf32, #tpu.memory_space<hbm>> -> memref<10240x128xf32, #tpu.memory_space<hbm>>
        tpu.enqueue_indirect_dma source(%dma_start3A_30 : memref<10240x128xf32, #tpu.memory_space<hbm>>) target(%arg24 : memref<128x128xf32, #tpu.memory_space<vmem>>) offsets(%dma_start3A_23 : memref<128xi32, #tpu.memory_space<vmem>>) semaphore(%arg25 : memref<!tpu.dma_semaphore, #tpu.memory_space<semaphore_mem>>)
        %dma_wait3A = arith.constant 0 : i32
        %dma_wait3A_31 = arith.constant 0 : i32
        %dma_wait3A_32 = tpu.memref_slice %arg22[%scan3A_20, %dma_wait3A_31] : memref<80x128xi32, #tpu.memory_space<vmem>> -> memref<1x128xi32, #tpu.memory_space<vmem>>
        %dma_wait3A_33 = tpu.memref_squeeze %dma_wait3A_32 : memref<1x128xi32, #tpu.memory_space<vmem>> -> memref<128xi32, #tpu.memory_space<vmem>>
        %dma_wait3A_34 = arith.constant 0 : i32
        %dma_wait3A_35 = arith.constant 0 : i32
        %dma_wait3A_36 = tpu.memref_slice %arg2[%dma_wait3A, %dma_wait3A_34, %dma_wait3A_35] : memref<2x10240x128xf32, #tpu.memory_space<hbm>> -> memref<1x10240x128xf32, #tpu.memory_space<hbm>>
        %dma_wait3A_37 = tpu.memref_squeeze %dma_wait3A_36 : memref<1x10240x128xf32, #tpu.memory_space<hbm>> -> memref<10240x128xf32, #tpu.memory_space<hbm>>
        %dma_wait3A_38 = arith.constant 0 : i32
        %dma_wait3A_39 = arith.constant 0 : i32
        %dma_wait3A_40 = tpu.memref_slice %dma_wait3A_37[%dma_wait3A_38, %dma_wait3A_39] : memref<10240x128xf32, #tpu.memory_space<hbm>> -> memref<10240x128xf32, #tpu.memory_space<hbm>>
        tpu.wait_indirect_dma semaphore(%arg25 : memref<!tpu.dma_semaphore, #tpu.memory_space<semaphore_mem>>) src(%dma_wait3A_40 : memref<10240x128xf32, #tpu.memory_space<hbm>>) dst(%arg24 : memref<128x128xf32, #tpu.memory_space<vmem>>)
        "tpu.region"() ({
          %run_scoped3A_41 = tpu.sem_alloc : memref<!tpu.dma_semaphore, #tpu.memory_space<semaphore_mem>>
          %dma_start3A_42 = arith.constant 0 : i32
          %dma_start3A_43 = tpu.memref_slice %arg23[%scan3A_20, %dma_start3A_42] : memref<80x128xi32, #tpu.memory_space<vmem>> -> memref<1x128xi32, #tpu.memory_space<vmem>>
          %dma_start3A_44 = tpu.memref_squeeze %dma_start3A_43 : memref<1x128xi32, #tpu.memory_space<vmem>> -> memref<128xi32, #tpu.memory_space<vmem>>
          %dma_start3A_45 = arith.constant 0 : i32
          %dma_start3A_46 = arith.constant 0 : i32
          %dma_start3A_47 = tpu.memref_slice %arg26[%dma_start3A_45, %dma_start3A_46] : memref<10240x128xf32, #tpu.memory_space<vmem_shared>> -> memref<10240x128xf32, #tpu.memory_space<vmem_shared>>
          tpu.enqueue_indirect_dma source(%arg24 : memref<128x128xf32, #tpu.memory_space<vmem>>) target(%dma_start3A_47 : memref<10240x128xf32, #tpu.memory_space<vmem_shared>>) offsets(%dma_start3A_44 : memref<128xi32, #tpu.memory_space<vmem>>) semaphore(%run_scoped3A_41 : memref<!tpu.dma_semaphore, #tpu.memory_space<semaphore_mem>>) {add = true}
          %dma_wait3A_48 = arith.constant 0 : i32
          %dma_wait3A_49 = tpu.memref_slice %arg23[%scan3A_20, %dma_wait3A_48] : memref<80x128xi32, #tpu.memory_space<vmem>> -> memref<1x128xi32, #tpu.memory_space<vmem>>
          %dma_wait3A_50 = tpu.memref_squeeze %dma_wait3A_49 : memref<1x128xi32, #tpu.memory_space<vmem>> -> memref<128xi32, #tpu.memory_space<vmem>>
          %dma_wait3A_51 = arith.constant 0 : i32
          %dma_wait3A_52 = arith.constant 0 : i32
          %dma_wait3A_53 = tpu.memref_slice %arg26[%dma_wait3A_51, %dma_wait3A_52] : memref<10240x128xf32, #tpu.memory_space<vmem_shared>> -> memref<10240x128xf32, #tpu.memory_space<vmem_shared>>
          tpu.wait_indirect_dma semaphore(%run_scoped3A_41 : memref<!tpu.dma_semaphore, #tpu.memory_space<semaphore_mem>>) src(%arg24 : memref<128x128xf32, #tpu.memory_space<vmem>>) dst(%dma_wait3A_53 : memref<10240x128xf32, #tpu.memory_space<vmem_shared>>)
          tpu.yield
        }) : () -> ()
      }
      %scan3A_16 = arith.constant 80 : i32
      %barrier3A_17 = arith.constant 0 : index
      tpu.barrier barrier_id(%barrier3A_17)
      %run_scoped3A_18 = arith.constant 0 : i32
      "tpu.region"() ({
        %run_scoped3A_20 = tpu.sem_alloc : memref<!tpu.dma_semaphore, #tpu.memory_space<semaphore_mem>>
        %dma_start3A = arith.constant 0 : i32
        %dma_start3A_21 = tpu.memref_slice %arg5[%run_scoped3A_18, %mul3A_11, %dma_start3A] : memref<2x10240x128xf32, #tpu.memory_space<hbm>> -> memref<1x640x128xf32, #tpu.memory_space<hbm>>
        %dma_start3A_22 = tpu.memref_squeeze %dma_start3A_21 : memref<1x640x128xf32, #tpu.memory_space<hbm>> -> memref<640x128xf32, #tpu.memory_space<hbm>>
        %dma_start3A_23 = arith.constant 0 : i32
        %dma_start3A_24 = tpu.memref_slice %arg26[%mul3A_11, %dma_start3A_23] : memref<10240x128xf32, #tpu.memory_space<vmem_shared>> -> memref<640x128xf32, #tpu.memory_space<vmem_shared>>
        tpu.enqueue_dma source(%dma_start3A_24 : memref<640x128xf32, #tpu.memory_space<vmem_shared>>) target(%dma_start3A_22 : memref<640x128xf32, #tpu.memory_space<hbm>>) target_semaphore(%run_scoped3A_20 : memref<!tpu.dma_semaphore, #tpu.memory_space<semaphore_mem>>)
        %dma_wait3A = arith.constant 0 : i32
        %dma_wait3A_25 = tpu.memref_slice %arg5[%run_scoped3A_18, %mul3A_11, %dma_wait3A] : memref<2x10240x128xf32, #tpu.memory_space<hbm>> -> memref<1x640x128xf32, #tpu.memory_space<hbm>>
        %dma_wait3A_26 = tpu.memref_squeeze %dma_wait3A_25 : memref<1x640x128xf32, #tpu.memory_space<hbm>> -> memref<640x128xf32, #tpu.memory_space<hbm>>
        %dma_wait3A_27 = arith.constant 0 : i32
        %dma_wait3A_28 = tpu.memref_slice %arg26[%mul3A_11, %dma_wait3A_27] : memref<10240x128xf32, #tpu.memory_space<vmem_shared>> -> memref<640x128xf32, #tpu.memory_space<vmem_shared>>
        tpu.wait_dma2 semaphore(%run_scoped3A_20 : memref<!tpu.dma_semaphore, #tpu.memory_space<semaphore_mem>>) src(%dma_wait3A_28 : memref<640x128xf32, #tpu.memory_space<vmem_shared>>) dst(%dma_wait3A_26 : memref<640x128xf32, #tpu.memory_space<hbm>>)
        tpu.yield
      }) : () -> ()
      %barrier3A_19 = arith.constant 0 : index
      tpu.barrier barrier_id(%barrier3A_19)
    } else {
    }
    %eq3A_5 = arith.constant 1 : i32
    %eq3A_6 = arith.cmpi eq, %arg0, %eq3A_5 : i32
    %convert_element_type3A_7 = arith.extui %eq3A_6 : i1 to i32
    %cond3A_8 = arith.constant 0 : i32
    %cond3A_9 = arith.cmpi ne, %convert_element_type3A_7, %cond3A_8 : i32
    scf.if %cond3A_9 {
      %mul3A_10 = arith.constant 640 : i32
      %mul3A_11 = arith.muli %arg1, %mul3A_10 : i32
      %run_scoped3A = arith.constant 1 : i32
      "tpu.region"() ({
        %run_scoped3A_20 = tpu.sem_alloc : memref<!tpu.dma_semaphore, #tpu.memory_space<semaphore_mem>>
        %dma_start3A = arith.constant 0 : i32
        %dma_start3A_21 = tpu.memref_slice %arg26[%mul3A_11, %dma_start3A] : memref<10240x128xf32, #tpu.memory_space<vmem_shared>> -> memref<640x128xf32, #tpu.memory_space<vmem_shared>>
        %dma_start3A_22 = arith.constant 0 : i32
        %dma_start3A_23 = tpu.memref_slice %arg2[%run_scoped3A, %mul3A_11, %dma_start3A_22] : memref<2x10240x128xf32, #tpu.memory_space<hbm>> -> memref<1x640x128xf32, #tpu.memory_space<hbm>>
        %dma_start3A_24 = tpu.memref_squeeze %dma_start3A_23 : memref<1x640x128xf32, #tpu.memory_space<hbm>> -> memref<640x128xf32, #tpu.memory_space<hbm>>
        tpu.enqueue_dma source(%dma_start3A_24 : memref<640x128xf32, #tpu.memory_space<hbm>>) target(%dma_start3A_21 : memref<640x128xf32, #tpu.memory_space<vmem_shared>>) target_semaphore(%run_scoped3A_20 : memref<!tpu.dma_semaphore, #tpu.memory_space<semaphore_mem>>)
        %dma_wait3A = arith.constant 0 : i32
        %dma_wait3A_25 = tpu.memref_slice %arg26[%mul3A_11, %dma_wait3A] : memref<10240x128xf32, #tpu.memory_space<vmem_shared>> -> memref<640x128xf32, #tpu.memory_space<vmem_shared>>
        %dma_wait3A_26 = arith.constant 0 : i32
        %dma_wait3A_27 = tpu.memref_slice %arg2[%run_scoped3A, %mul3A_11, %dma_wait3A_26] : memref<2x10240x128xf32, #tpu.memory_space<hbm>> -> memref<1x640x128xf32, #tpu.memory_space<hbm>>
        %dma_wait3A_28 = tpu.memref_squeeze %dma_wait3A_27 : memref<1x640x128xf32, #tpu.memory_space<hbm>> -> memref<640x128xf32, #tpu.memory_space<hbm>>
        tpu.wait_dma2 semaphore(%run_scoped3A_20 : memref<!tpu.dma_semaphore, #tpu.memory_space<semaphore_mem>>) src(%dma_wait3A_28 : memref<640x128xf32, #tpu.memory_space<hbm>>) dst(%dma_wait3A_25 : memref<640x128xf32, #tpu.memory_space<vmem_shared>>)
        tpu.yield
      }) : () -> ()
      %barrier3A = arith.constant 0 : index
      tpu.barrier barrier_id(%barrier3A)
      %scan3A = arith.constant 0 : i32
      %scan3A_12 = arith.constant 0 : i32
      %scan3A_13 = arith.constant 80 : i32
      %scan3A_14 = arith.addi %scan3A_12, %scan3A_13 : i32
      %scan3A_15 = arith.constant 1 : i32
      scf.for %scan3A_20 = %scan3A_12 to %scan3A_14 step %scan3A_15  : i32 {
        %dma_start3A = arith.constant 1 : i32
        %dma_start3A_21 = arith.constant 0 : i32
        %dma_start3A_22 = tpu.memref_slice %arg22[%scan3A_20, %dma_start3A_21] : memref<80x128xi32, #tpu.memory_space<vmem>> -> memref<1x128xi32, #tpu.memory_space<vmem>>
        %dma_start3A_23 = tpu.memref_squeeze %dma_start3A_22 : memref<1x128xi32, #tpu.memory_space<vmem>> -> memref<128xi32, #tpu.memory_space<vmem>>
        %dma_start3A_24 = arith.constant 0 : i32
        %dma_start3A_25 = arith.constant 0 : i32
        %dma_start3A_26 = tpu.memref_slice %arg2[%dma_start3A, %dma_start3A_24, %dma_start3A_25] : memref<2x10240x128xf32, #tpu.memory_space<hbm>> -> memref<1x10240x128xf32, #tpu.memory_space<hbm>>
        %dma_start3A_27 = tpu.memref_squeeze %dma_start3A_26 : memref<1x10240x128xf32, #tpu.memory_space<hbm>> -> memref<10240x128xf32, #tpu.memory_space<hbm>>
        %dma_start3A_28 = arith.constant 0 : i32
        %dma_start3A_29 = arith.constant 0 : i32
        %dma_start3A_30 = tpu.memref_slice %dma_start3A_27[%dma_start3A_28, %dma_start3A_29] : memref<10240x128xf32, #tpu.memory_space<hbm>> -> memref<10240x128xf32, #tpu.memory_space<hbm>>
        tpu.enqueue_indirect_dma source(%dma_start3A_30 : memref<10240x128xf32, #tpu.memory_space<hbm>>) target(%arg24 : memref<128x128xf32, #tpu.memory_space<vmem>>) offsets(%dma_start3A_23 : memref<128xi32, #tpu.memory_space<vmem>>) semaphore(%arg25 : memref<!tpu.dma_semaphore, #tpu.memory_space<semaphore_mem>>)
        %dma_wait3A = arith.constant 1 : i32
        %dma_wait3A_31 = arith.constant 0 : i32
        %dma_wait3A_32 = tpu.memref_slice %arg22[%scan3A_20, %dma_wait3A_31] : memref<80x128xi32, #tpu.memory_space<vmem>> -> memref<1x128xi32, #tpu.memory_space<vmem>>
        %dma_wait3A_33 = tpu.memref_squeeze %dma_wait3A_32 : memref<1x128xi32, #tpu.memory_space<vmem>> -> memref<128xi32, #tpu.memory_space<vmem>>
        %dma_wait3A_34 = arith.constant 0 : i32
        %dma_wait3A_35 = arith.constant 0 : i32
        %dma_wait3A_36 = tpu.memref_slice %arg2[%dma_wait3A, %dma_wait3A_34, %dma_wait3A_35] : memref<2x10240x128xf32, #tpu.memory_space<hbm>> -> memref<1x10240x128xf32, #tpu.memory_space<hbm>>
        %dma_wait3A_37 = tpu.memref_squeeze %dma_wait3A_36 : memref<1x10240x128xf32, #tpu.memory_space<hbm>> -> memref<10240x128xf32, #tpu.memory_space<hbm>>
        %dma_wait3A_38 = arith.constant 0 : i32
        %dma_wait3A_39 = arith.constant 0 : i32
        %dma_wait3A_40 = tpu.memref_slice %dma_wait3A_37[%dma_wait3A_38, %dma_wait3A_39] : memref<10240x128xf32, #tpu.memory_space<hbm>> -> memref<10240x128xf32, #tpu.memory_space<hbm>>
        tpu.wait_indirect_dma semaphore(%arg25 : memref<!tpu.dma_semaphore, #tpu.memory_space<semaphore_mem>>) src(%dma_wait3A_40 : memref<10240x128xf32, #tpu.memory_space<hbm>>) dst(%arg24 : memref<128x128xf32, #tpu.memory_space<vmem>>)
        "tpu.region"() ({
          %run_scoped3A_41 = tpu.sem_alloc : memref<!tpu.dma_semaphore, #tpu.memory_space<semaphore_mem>>
          %dma_start3A_42 = arith.constant 0 : i32
          %dma_start3A_43 = tpu.memref_slice %arg23[%scan3A_20, %dma_start3A_42] : memref<80x128xi32, #tpu.memory_space<vmem>> -> memref<1x128xi32, #tpu.memory_space<vmem>>
          %dma_start3A_44 = tpu.memref_squeeze %dma_start3A_43 : memref<1x128xi32, #tpu.memory_space<vmem>> -> memref<128xi32, #tpu.memory_space<vmem>>
          %dma_start3A_45 = arith.constant 0 : i32
          %dma_start3A_46 = arith.constant 0 : i32
          %dma_start3A_47 = tpu.memref_slice %arg26[%dma_start3A_45, %dma_start3A_46] : memref<10240x128xf32, #tpu.memory_space<vmem_shared>> -> memref<10240x128xf32, #tpu.memory_space<vmem_shared>>
          tpu.enqueue_indirect_dma source(%arg24 : memref<128x128xf32, #tpu.memory_space<vmem>>) target(%dma_start3A_47 : memref<10240x128xf32, #tpu.memory_space<vmem_shared>>) offsets(%dma_start3A_44 : memref<128xi32, #tpu.memory_space<vmem>>) semaphore(%run_scoped3A_41 : memref<!tpu.dma_semaphore, #tpu.memory_space<semaphore_mem>>) {add = true}
          %dma_wait3A_48 = arith.constant 0 : i32
          %dma_wait3A_49 = tpu.memref_slice %arg23[%scan3A_20, %dma_wait3A_48] : memref<80x128xi32, #tpu.memory_space<vmem>> -> memref<1x128xi32, #tpu.memory_space<vmem>>
          %dma_wait3A_50 = tpu.memref_squeeze %dma_wait3A_49 : memref<1x128xi32, #tpu.memory_space<vmem>> -> memref<128xi32, #tpu.memory_space<vmem>>
          %dma_wait3A_51 = arith.constant 0 : i32
          %dma_wait3A_52 = arith.constant 0 : i32
          %dma_wait3A_53 = tpu.memref_slice %arg26[%dma_wait3A_51, %dma_wait3A_52] : memref<10240x128xf32, #tpu.memory_space<vmem_shared>> -> memref<10240x128xf32, #tpu.memory_space<vmem_shared>>
          tpu.wait_indirect_dma semaphore(%run_scoped3A_41 : memref<!tpu.dma_semaphore, #tpu.memory_space<semaphore_mem>>) src(%arg24 : memref<128x128xf32, #tpu.memory_space<vmem>>) dst(%dma_wait3A_53 : memref<10240x128xf32, #tpu.memory_space<vmem_shared>>)
          tpu.yield
        }) : () -> ()
      }
      %scan3A_16 = arith.constant 80 : i32
      %barrier3A_17 = arith.constant 0 : index
      tpu.barrier barrier_id(%barrier3A_17)
      %run_scoped3A_18 = arith.constant 1 : i32
      "tpu.region"() ({
        %run_scoped3A_20 = tpu.sem_alloc : memref<!tpu.dma_semaphore, #tpu.memory_space<semaphore_mem>>
        %dma_start3A = arith.constant 0 : i32
        %dma_start3A_21 = tpu.memref_slice %arg5[%run_scoped3A_18, %mul3A_11, %dma_start3A] : memref<2x10240x128xf32, #tpu.memory_space<hbm>> -> memref<1x640x128xf32, #tpu.memory_space<hbm>>
        %dma_start3A_22 = tpu.memref_squeeze %dma_start3A_21 : memref<1x640x128xf32, #tpu.memory_space<hbm>> -> memref<640x128xf32, #tpu.memory_space<hbm>>
        %dma_start3A_23 = arith.constant 0 : i32
        %dma_start3A_24 = tpu.memref_slice %arg26[%mul3A_11, %dma_start3A_23] : memref<10240x128xf32, #tpu.memory_space<vmem_shared>> -> memref<640x128xf32, #tpu.memory_space<vmem_shared>>
        tpu.enqueue_dma source(%dma_start3A_24 : memref<640x128xf32, #tpu.memory_space<vmem_shared>>) target(%dma_start3A_22 : memref<640x128xf32, #tpu.memory_space<hbm>>) target_semaphore(%run_scoped3A_20 : memref<!tpu.dma_semaphore, #tpu.memory_space<semaphore_mem>>)
        %dma_wait3A = arith.constant 0 : i32
        %dma_wait3A_25 = tpu.memref_slice %arg5[%run_scoped3A_18, %mul3A_11, %dma_wait3A] : memref<2x10240x128xf32, #tpu.memory_space<hbm>> -> memref<1x640x128xf32, #tpu.memory_space<hbm>>
        %dma_wait3A_26 = tpu.memref_squeeze %dma_wait3A_25 : memref<1x640x128xf32, #tpu.memory_space<hbm>> -> memref<640x128xf32, #tpu.memory_space<hbm>>
        %dma_wait3A_27 = arith.constant 0 : i32
        %dma_wait3A_28 = tpu.memref_slice %arg26[%mul3A_11, %dma_wait3A_27] : memref<10240x128xf32, #tpu.memory_space<vmem_shared>> -> memref<640x128xf32, #tpu.memory_space<vmem_shared>>
        tpu.wait_dma2 semaphore(%run_scoped3A_20 : memref<!tpu.dma_semaphore, #tpu.memory_space<semaphore_mem>>) src(%dma_wait3A_28 : memref<640x128xf32, #tpu.memory_space<vmem_shared>>) dst(%dma_wait3A_26 : memref<640x128xf32, #tpu.memory_space<hbm>>)
        tpu.yield
      }) : () -> ()
      %barrier3A_19 = arith.constant 0 : index
      tpu.barrier barrier_id(%barrier3A_19)
    } else {
    }
    return
  }
}

module attributes {stable_mosaic.version = 14 : i64} {
  func.func @_mm1_body(%arg0: i32, %arg1: i32, %arg2: memref<512x256xf32, #tpu.memory_space<vmem>>, %arg3: memref<256x128xf32, #tpu.memory_space<vmem>>, %arg4: memref<2x512x16xf32, #tpu.memory_space<vmem>>, %arg5: memref<1x512x128xf32, #tpu.memory_space<vmem>>) attributes {dimension_semantics = [#tpu.dimension_semantics<arbitrary>, #tpu.dimension_semantics<arbitrary>], iteration_bounds = array<i64: 20, 4>, scalar_prefetch = 0 : i64, scratch_operands = 0 : i64, tpu.core_type = #tpu.core_type<tc>, window_params = [{transform_indices = @transform_0, window_bounds = array<i64: 512, 256>}, {transform_indices = @transform_1, window_bounds = array<i64: 256, 128>}, {transform_indices = @transform_2, window_bounds = array<i64: 2, 512, 16>}, {transform_indices = @transform_3, window_bounds = array<i64: 1, 512, 128>}]} {
    %get3A = arith.constant 0 : index
    %get3A_0 = arith.constant 0 : index
    %get3A_1 = arith.constant 0 : index
    %get3A_2 = vector.load %arg4[%get3A, %get3A_0, %get3A_1] : memref<2x512x16xf32, #tpu.memory_space<vmem>>, vector<1x512x1xf32>
    %get3A_3 = vector.shape_cast %get3A_2 : vector<1x512x1xf32> to vector<512xf32>
    %get3A_4 = arith.constant 1 : index
    %get3A_5 = arith.constant 0 : index
    %get3A_6 = arith.constant 0 : index
    %get3A_7 = vector.load %arg4[%get3A_4, %get3A_5, %get3A_6] : memref<2x512x16xf32, #tpu.memory_space<vmem>>, vector<1x512x1xf32>
    %get3A_8 = vector.shape_cast %get3A_7 : vector<1x512x1xf32> to vector<512xf32>
    %add3A = arith.addf %get3A_3, %get3A_8 : vector<512xf32>
    %add3A_9 = arith.constant 1.000000e+00 : f32
    %add3A_10 = vector.broadcast %add3A_9 : f32 to vector<512xf32>
    %add3A_11 = arith.addf %add3A, %add3A_10 : vector<512xf32>
    %rsqrt3A = math.rsqrt %add3A_11 : vector<512xf32>
    %get3A_12 = arith.constant 0 : index
    %get3A_13 = arith.constant 0 : index
    %get3A_14 = vector.load %arg2[%get3A_12, %get3A_13] : memref<512x256xf32, #tpu.memory_space<vmem>>, vector<512x256xf32>
    %get3A_15 = arith.constant 0 : index
    %get3A_16 = arith.constant 0 : index
    %get3A_17 = vector.load %arg3[%get3A_15, %get3A_16] : memref<256x128xf32, #tpu.memory_space<vmem>>, vector<256x128xf32>
    %dot_general3A = arith.constant dense<0.000000e+00> : vector<512x128xf32>
    %dot_general3A_18 = tpu.matmul %get3A_14, %get3A_17, %dot_general3A {dimension_numbers = #tpu.dot_dimension_numbers<[1], [0], [0], [1], [0, 0, 1, 1], [], []>, transpose_lhs_hint = false} : vector<512x256xf32>, vector<256x128xf32>, vector<512x128xf32> -> vector<512x128xf32>
    %broadcast_in_dim3A = vector.shape_cast %rsqrt3A : vector<512xf32> to vector<512x1xf32>
    %mul3A = vector.broadcast %broadcast_in_dim3A : vector<512x1xf32> to vector<512x128xf32>
    %mul3A_19 = arith.mulf %dot_general3A_18, %mul3A : vector<512x128xf32>
    %swap3A = arith.constant 0 : index
    %swap3A_20 = arith.constant 0 : index
    %swap3A_21 = arith.constant 0 : index
    %swap3A_22 = vector.load %arg5[%swap3A, %swap3A_20, %swap3A_21] : memref<1x512x128xf32, #tpu.memory_space<vmem>>, vector<1x512x128xf32>
    %swap3A_23 = vector.shape_cast %swap3A_22 : vector<1x512x128xf32> to vector<512x128xf32>
    %swap3A_24 = vector.shape_cast %mul3A_19 : vector<512x128xf32> to vector<1x512x128xf32>
    tpu.vector_store %arg5[%swap3A, %swap3A_20, %swap3A_21], %swap3A_24 {strides = array<i32>} : memref<1x512x128xf32, #tpu.memory_space<vmem>>, vector<1x512x128xf32>,
    return
  }
  func.func @transform_0(%arg0: i32, %arg1: i32) -> (i32, i32) {
    %c0_i32 = arith.constant 0 : i32
    %c0_i32_0 = arith.constant 0 : i32
    return %arg0, %c0_i32 : i32, i32
  }
  func.func @transform_1(%arg0: i32, %arg1: i32) -> (i32, i32) {
    %c0_i32 = arith.constant 0 : i32
    %c0_i32_0 = arith.constant 0 : i32
    return %c0_i32, %arg1 : i32, i32
  }
  func.func @transform_2(%arg0: i32, %arg1: i32) -> (i32, i32, i32) {
    %c0_i32 = arith.constant 0 : i32
    %c0_i32_0 = arith.constant 0 : i32
    %c0_i32_1 = arith.constant 0 : i32
    return %c0_i32, %arg0, %c0_i32_0 : i32, i32, i32
  }
  func.func @transform_3(%arg0: i32, %arg1: i32) -> (i32, i32, i32) {
    %c0_i32 = arith.constant 0 : i32
    %c0_i32_0 = arith.constant 0 : i32
    return %arg1, %arg0, %c0_i32 : i32, i32, i32
  }
}

module attributes {stable_mosaic.version = 14 : i64} {
  func.func @_mm2_body(%arg0: i32, %arg1: memref<4x512x128xf32, #tpu.memory_space<vmem>>, %arg2: memref<4x128x256xf32, #tpu.memory_space<vmem>>, %arg3: memref<4x128xf32, #tpu.memory_space<vmem>>, %arg4: memref<2x512x16xf32, #tpu.memory_space<vmem>>, %arg5: memref<2x512x128xf32, #tpu.memory_space<vmem>>) attributes {dimension_semantics = [#tpu.dimension_semantics<arbitrary>], iteration_bounds = array<i64: 20>, scalar_prefetch = 0 : i64, scratch_operands = 0 : i64, tpu.core_type = #tpu.core_type<tc>, window_params = [{transform_indices = @transform_0, window_bounds = array<i64: 4, 512, 128>}, {pipeline_mode = #tpu.pipeline_mode<synchronous>, transform_indices = @transform_1, window_bounds = array<i64: 4, 128, 256>}, {pipeline_mode = #tpu.pipeline_mode<synchronous>, transform_indices = @transform_2, window_bounds = array<i64: 4, 128>}, {transform_indices = @transform_3, window_bounds = array<i64: 2, 512, 16>}, {transform_indices = @transform_4, window_bounds = array<i64: 2, 512, 128>}]} {
    %get3A = arith.constant 0 : index
    %get3A_0 = arith.constant 0 : index
    %get3A_1 = arith.constant 0 : index
    %get3A_2 = vector.load %arg4[%get3A, %get3A_0, %get3A_1] : memref<2x512x16xf32, #tpu.memory_space<vmem>>, vector<1x512x1xf32>
    %get3A_3 = vector.shape_cast %get3A_2 : vector<1x512x1xf32> to vector<512xf32>
    %get3A_4 = arith.constant 1 : index
    %get3A_5 = arith.constant 0 : index
    %get3A_6 = arith.constant 0 : index
    %get3A_7 = vector.load %arg4[%get3A_4, %get3A_5, %get3A_6] : memref<2x512x16xf32, #tpu.memory_space<vmem>>, vector<1x512x1xf32>
    %get3A_8 = vector.shape_cast %get3A_7 : vector<1x512x1xf32> to vector<512xf32>
    %add3A = arith.addf %get3A_3, %get3A_8 : vector<512xf32>
    %add3A_9 = arith.constant 1.000000e+00 : f32
    %add3A_10 = vector.broadcast %add3A_9 : f32 to vector<512xf32>
    %add3A_11 = arith.addf %add3A, %add3A_10 : vector<512xf32>
    %rsqrt3A = math.rsqrt %add3A_11 : vector<512xf32>
    %broadcast_in_dim3A = arith.constant 0.000000e+00 : f32
    %broadcast_in_dim3A_12 = vector.broadcast %broadcast_in_dim3A : f32 to vector<512x256xf32>
    %get3A_13 = arith.constant 0 : index
    %get3A_14 = arith.constant 0 : index
    %get3A_15 = arith.constant 0 : index
    %get3A_16 = vector.load %arg1[%get3A_13, %get3A_14, %get3A_15] : memref<4x512x128xf32, #tpu.memory_space<vmem>>, vector<1x512x128xf32>
    %get3A_17 = vector.shape_cast %get3A_16 : vector<1x512x128xf32> to vector<512x128xf32>
    %broadcast_in_dim3A_18 = vector.shape_cast %rsqrt3A : vector<512xf32> to vector<512x1xf32>
    %mul3A = vector.broadcast %broadcast_in_dim3A_18 : vector<512x1xf32> to vector<512x128xf32>
    %mul3A_19 = arith.mulf %get3A_17, %mul3A : vector<512x128xf32>
    %get3A_20 = arith.constant 0 : index
    %get3A_21 = arith.constant 0 : index
    %get3A_22 = vector.load %arg3[%get3A_20, %get3A_21] : memref<4x128xf32, #tpu.memory_space<vmem>>, vector<1x128xf32>
    %get3A_23 = vector.shape_cast %get3A_22 : vector<1x128xf32> to vector<128xf32>
    %broadcast_in_dim3A_24 = vector.shape_cast %get3A_23 : vector<128xf32> to vector<1x128xf32>
    %add3A_25 = vector.broadcast %broadcast_in_dim3A_24 : vector<1x128xf32> to vector<512x128xf32>
    %add3A_26 = arith.addf %mul3A_19, %add3A_25 : vector<512x128xf32>
    %max3A = arith.constant 0.000000e+00 : f32
    %max3A_27 = vector.broadcast %max3A : f32 to vector<512x128xf32>
    %max3A_28 = arith.maximumf %add3A_26, %max3A_27 : vector<512x128xf32>
    %get3A_29 = arith.constant 0 : index
    %get3A_30 = arith.constant 0 : index
    %get3A_31 = arith.constant 0 : index
    %get3A_32 = vector.load %arg2[%get3A_29, %get3A_30, %get3A_31] : memref<4x128x256xf32, #tpu.memory_space<vmem>>, vector<1x128x256xf32>
    %get3A_33 = vector.shape_cast %get3A_32 : vector<1x128x256xf32> to vector<128x256xf32>
    %dot_general3A = arith.constant dense<0.000000e+00> : vector<512x256xf32>
    %dot_general3A_34 = tpu.matmul %max3A_28, %get3A_33, %dot_general3A {dimension_numbers = #tpu.dot_dimension_numbers<[1], [0], [0], [1], [0, 0, 1, 1], [], []>, transpose_lhs_hint = false} : vector<512x128xf32>, vector<128x256xf32>, vector<512x256xf32> -> vector<512x256xf32>
    %add3A_35 = arith.addf %broadcast_in_dim3A_12, %dot_general3A_34 : vector<512x256xf32>
    %get3A_36 = arith.constant 1 : index
    %get3A_37 = arith.constant 0 : index
    %get3A_38 = arith.constant 0 : index
    %get3A_39 = vector.load %arg1[%get3A_36, %get3A_37, %get3A_38] : memref<4x512x128xf32, #tpu.memory_space<vmem>>, vector<1x512x128xf32>
    %get3A_40 = vector.shape_cast %get3A_39 : vector<1x512x128xf32> to vector<512x128xf32>
    %broadcast_in_dim3A_41 = vector.shape_cast %rsqrt3A : vector<512xf32> to vector<512x1xf32>
    %mul3A_42 = vector.broadcast %broadcast_in_dim3A_41 : vector<512x1xf32> to vector<512x128xf32>
    %mul3A_43 = arith.mulf %get3A_40, %mul3A_42 : vector<512x128xf32>
    %get3A_44 = arith.constant 1 : index
    %get3A_45 = arith.constant 0 : index
    %get3A_46 = vector.load %arg3[%get3A_44, %get3A_45] : memref<4x128xf32, #tpu.memory_space<vmem>>, vector<1x128xf32>
    %get3A_47 = vector.shape_cast %get3A_46 : vector<1x128xf32> to vector<128xf32>
    %broadcast_in_dim3A_48 = vector.shape_cast %get3A_47 : vector<128xf32> to vector<1x128xf32>
    %add3A_49 = vector.broadcast %broadcast_in_dim3A_48 : vector<1x128xf32> to vector<512x128xf32>
    %add3A_50 = arith.addf %mul3A_43, %add3A_49 : vector<512x128xf32>
    %max3A_51 = arith.constant 0.000000e+00 : f32
    %max3A_52 = vector.broadcast %max3A_51 : f32 to vector<512x128xf32>
    %max3A_53 = arith.maximumf %add3A_50, %max3A_52 : vector<512x128xf32>
    %get3A_54 = arith.constant 1 : index
    %get3A_55 = arith.constant 0 : index
    %get3A_56 = arith.constant 0 : index
    %get3A_57 = vector.load %arg2[%get3A_54, %get3A_55, %get3A_56] : memref<4x128x256xf32, #tpu.memory_space<vmem>>, vector<1x128x256xf32>
    %get3A_58 = vector.shape_cast %get3A_57 : vector<1x128x256xf32> to vector<128x256xf32>
    %dot_general3A_59 = arith.constant dense<0.000000e+00> : vector<512x256xf32>
    %dot_general3A_60 = tpu.matmul %max3A_53, %get3A_58, %dot_general3A_59 {dimension_numbers = #tpu.dot_dimension_numbers<[1], [0], [0], [1], [0, 0, 1, 1], [], []>, transpose_lhs_hint = false} : vector<512x128xf32>, vector<128x256xf32>, vector<512x256xf32> -> vector<512x256xf32>
    %add3A_61 = arith.addf %add3A_35, %dot_general3A_60 : vector<512x256xf32>
    %get3A_62 = arith.constant 2 : index
    %get3A_63 = arith.constant 0 : index
    %get3A_64 = arith.constant 0 : index
    %get3A_65 = vector.load %arg1[%get3A_62, %get3A_63, %get3A_64] : memref<4x512x128xf32, #tpu.memory_space<vmem>>, vector<1x512x128xf32>
    %get3A_66 = vector.shape_cast %get3A_65 : vector<1x512x128xf32> to vector<512x128xf32>
    %broadcast_in_dim3A_67 = vector.shape_cast %rsqrt3A : vector<512xf32> to vector<512x1xf32>
    %mul3A_68 = vector.broadcast %broadcast_in_dim3A_67 : vector<512x1xf32> to vector<512x128xf32>
    %mul3A_69 = arith.mulf %get3A_66, %mul3A_68 : vector<512x128xf32>
    %get3A_70 = arith.constant 2 : index
    %get3A_71 = arith.constant 0 : index
    %get3A_72 = vector.load %arg3[%get3A_70, %get3A_71] : memref<4x128xf32, #tpu.memory_space<vmem>>, vector<1x128xf32>
    %get3A_73 = vector.shape_cast %get3A_72 : vector<1x128xf32> to vector<128xf32>
    %broadcast_in_dim3A_74 = vector.shape_cast %get3A_73 : vector<128xf32> to vector<1x128xf32>
    %add3A_75 = vector.broadcast %broadcast_in_dim3A_74 : vector<1x128xf32> to vector<512x128xf32>
    %add3A_76 = arith.addf %mul3A_69, %add3A_75 : vector<512x128xf32>
    %max3A_77 = arith.constant 0.000000e+00 : f32
    %max3A_78 = vector.broadcast %max3A_77 : f32 to vector<512x128xf32>
    %max3A_79 = arith.maximumf %add3A_76, %max3A_78 : vector<512x128xf32>
    %get3A_80 = arith.constant 2 : index
    %get3A_81 = arith.constant 0 : index
    %get3A_82 = arith.constant 0 : index
    %get3A_83 = vector.load %arg2[%get3A_80, %get3A_81, %get3A_82] : memref<4x128x256xf32, #tpu.memory_space<vmem>>, vector<1x128x256xf32>
    %get3A_84 = vector.shape_cast %get3A_83 : vector<1x128x256xf32> to vector<128x256xf32>
    %dot_general3A_85 = arith.constant dense<0.000000e+00> : vector<512x256xf32>
    %dot_general3A_86 = tpu.matmul %max3A_79, %get3A_84, %dot_general3A_85 {dimension_numbers = #tpu.dot_dimension_numbers<[1], [0], [0], [1], [0, 0, 1, 1], [], []>, transpose_lhs_hint = false} : vector<512x128xf32>, vector<128x256xf32>, vector<512x256xf32> -> vector<512x256xf32>
    %add3A_87 = arith.addf %add3A_61, %dot_general3A_86 : vector<512x256xf32>
    %get3A_88 = arith.constant 3 : index
    %get3A_89 = arith.constant 0 : index
    %get3A_90 = arith.constant 0 : index
    %get3A_91 = vector.load %arg1[%get3A_88, %get3A_89, %get3A_90] : memref<4x512x128xf32, #tpu.memory_space<vmem>>, vector<1x512x128xf32>
    %get3A_92 = vector.shape_cast %get3A_91 : vector<1x512x128xf32> to vector<512x128xf32>
    %broadcast_in_dim3A_93 = vector.shape_cast %rsqrt3A : vector<512xf32> to vector<512x1xf32>
    %mul3A_94 = vector.broadcast %broadcast_in_dim3A_93 : vector<512x1xf32> to vector<512x128xf32>
    %mul3A_95 = arith.mulf %get3A_92, %mul3A_94 : vector<512x128xf32>
    %get3A_96 = arith.constant 3 : index
    %get3A_97 = arith.constant 0 : index
    %get3A_98 = vector.load %arg3[%get3A_96, %get3A_97] : memref<4x128xf32, #tpu.memory_space<vmem>>, vector<1x128xf32>
    %get3A_99 = vector.shape_cast %get3A_98 : vector<1x128xf32> to vector<128xf32>
    %broadcast_in_dim3A_100 = vector.shape_cast %get3A_99 : vector<128xf32> to vector<1x128xf32>
    %add3A_101 = vector.broadcast %broadcast_in_dim3A_100 : vector<1x128xf32> to vector<512x128xf32>
    %add3A_102 = arith.addf %mul3A_95, %add3A_101 : vector<512x128xf32>
    %max3A_103 = arith.constant 0.000000e+00 : f32
    %max3A_104 = vector.broadcast %max3A_103 : f32 to vector<512x128xf32>
    %max3A_105 = arith.maximumf %add3A_102, %max3A_104 : vector<512x128xf32>
    %get3A_106 = arith.constant 3 : index
    %get3A_107 = arith.constant 0 : index
    %get3A_108 = arith.constant 0 : index
    %get3A_109 = vector.load %arg2[%get3A_106, %get3A_107, %get3A_108] : memref<4x128x256xf32, #tpu.memory_space<vmem>>, vector<1x128x256xf32>
    %get3A_110 = vector.shape_cast %get3A_109 : vector<1x128x256xf32> to vector<128x256xf32>
    %dot_general3A_111 = arith.constant dense<0.000000e+00> : vector<512x256xf32>
    %dot_general3A_112 = tpu.matmul %max3A_105, %get3A_110, %dot_general3A_111 {dimension_numbers = #tpu.dot_dimension_numbers<[1], [0], [0], [1], [0, 0, 1, 1], [], []>, transpose_lhs_hint = false} : vector<512x128xf32>, vector<128x256xf32>, vector<512x256xf32> -> vector<512x256xf32>
    %add3A_113 = arith.addf %add3A_87, %dot_general3A_112 : vector<512x256xf32>
    %broadcast_in_dim3A_114 = vector.shape_cast %rsqrt3A : vector<512xf32> to vector<512x1xf32>
    %mul3A_115 = vector.broadcast %broadcast_in_dim3A_114 : vector<512x1xf32> to vector<512x256xf32>
    %mul3A_116 = arith.mulf %add3A_113, %mul3A_115 : vector<512x256xf32>
    %slice3A = vector.extract_strided_slice %mul3A_116 {offsets = [0, 0], sizes = [512, 128], strides = [1, 1]} : vector<512x256xf32> to vector<512x128xf32>
    %swap3A = arith.constant 0 : index
    %swap3A_117 = arith.constant 0 : index
    %swap3A_118 = arith.constant 0 : index
    %swap3A_119 = vector.load %arg5[%swap3A, %swap3A_117, %swap3A_118] : memref<2x512x128xf32, #tpu.memory_space<vmem>>, vector<1x512x128xf32>
    %swap3A_120 = vector.shape_cast %swap3A_119 : vector<1x512x128xf32> to vector<512x128xf32>
    %swap3A_121 = vector.shape_cast %slice3A : vector<512x128xf32> to vector<1x512x128xf32>
    tpu.vector_store %arg5[%swap3A, %swap3A_117, %swap3A_118], %swap3A_121 {strides = array<i32>} : memref<2x512x128xf32, #tpu.memory_space<vmem>>, vector<1x512x128xf32>,
    %slice3A_122 = vector.extract_strided_slice %mul3A_116 {offsets = [0, 128], sizes = [512, 128], strides = [1, 1]} : vector<512x256xf32> to vector<512x128xf32>
    %swap3A_123 = arith.constant 1 : index
    %swap3A_124 = arith.constant 0 : index
    %swap3A_125 = arith.constant 0 : index
    %swap3A_126 = vector.load %arg5[%swap3A_123, %swap3A_124, %swap3A_125] : memref<2x512x128xf32, #tpu.memory_space<vmem>>, vector<1x512x128xf32>
    %swap3A_127 = vector.shape_cast %swap3A_126 : vector<1x512x128xf32> to vector<512x128xf32>
    %swap3A_128 = vector.shape_cast %slice3A_122 : vector<512x128xf32> to vector<1x512x128xf32>
    tpu.vector_store %arg5[%swap3A_123, %swap3A_124, %swap3A_125], %swap3A_128 {strides = array<i32>} : memref<2x512x128xf32, #tpu.memory_space<vmem>>, vector<1x512x128xf32>,
    return
  }
  func.func @transform_0(%arg0: i32) -> (i32, i32, i32) {
    %c0_i32 = arith.constant 0 : i32
    %c0_i32_0 = arith.constant 0 : i32
    %c0_i32_1 = arith.constant 0 : i32
    return %c0_i32, %arg0, %c0_i32_0 : i32, i32, i32
  }
  func.func @transform_1(%arg0: i32) -> (i32, i32, i32) {
    %c0_i32 = arith.constant 0 : i32
    %c0_i32_0 = arith.constant 0 : i32
    %c0_i32_1 = arith.constant 0 : i32
    %c0_i32_2 = arith.constant 0 : i32
    return %c0_i32, %c0_i32_0, %c0_i32_1 : i32, i32, i32
  }
  func.func @transform_2(%arg0: i32) -> (i32, i32) {
    %c0_i32 = arith.constant 0 : i32
    %c0_i32_0 = arith.constant 0 : i32
    %c0_i32_1 = arith.constant 0 : i32
    return %c0_i32, %c0_i32_0 : i32, i32
  }
  func.func @transform_3(%arg0: i32) -> (i32, i32, i32) {
    %c0_i32 = arith.constant 0 : i32
    %c0_i32_0 = arith.constant 0 : i32
    %c0_i32_1 = arith.constant 0 : i32
    return %c0_i32, %arg0, %c0_i32_0 : i32, i32, i32
  }
  func.func @transform_4(%arg0: i32) -> (i32, i32, i32) {
    %c0_i32 = arith.constant 0 : i32
    %c0_i32_0 = arith.constant 0 : i32
    %c0_i32_1 = arith.constant 0 : i32
    return %c0_i32, %arg0, %c0_i32_0 : i32, i32, i32
  }
}

module attributes {stable_mosaic.version = 14 : i64} {
  func.func @_final_body(%arg0: i32, %arg1: memref<2x512x128xf32, #tpu.memory_space<vmem>>, %arg2: memref<2x128xf32, #tpu.memory_space<vmem>>, %arg3: memref<2x512x16xf32, #tpu.memory_space<vmem>>, %arg4: memref<512x256xf32, #tpu.memory_space<vmem>>) attributes {dimension_semantics = [#tpu.dimension_semantics<arbitrary>], iteration_bounds = array<i64: 20>, scalar_prefetch = 0 : i64, scratch_operands = 0 : i64, tpu.core_type = #tpu.core_type<tc>, window_params = [{transform_indices = @transform_0, window_bounds = array<i64: 2, 512, 128>}, {pipeline_mode = #tpu.pipeline_mode<synchronous>, transform_indices = @transform_1, window_bounds = array<i64: 2, 128>}, {transform_indices = @transform_2, window_bounds = array<i64: 2, 512, 16>}, {transform_indices = @transform_3, window_bounds = array<i64: 512, 256>}]} {
    %get3A = arith.constant 0 : index
    %get3A_0 = arith.constant 0 : index
    %get3A_1 = arith.constant 0 : index
    %get3A_2 = vector.load %arg3[%get3A, %get3A_0, %get3A_1] : memref<2x512x16xf32, #tpu.memory_space<vmem>>, vector<1x512x1xf32>
    %get3A_3 = vector.shape_cast %get3A_2 : vector<1x512x1xf32> to vector<512xf32>
    %get3A_4 = arith.constant 1 : index
    %get3A_5 = arith.constant 0 : index
    %get3A_6 = arith.constant 0 : index
    %get3A_7 = vector.load %arg3[%get3A_4, %get3A_5, %get3A_6] : memref<2x512x16xf32, #tpu.memory_space<vmem>>, vector<1x512x1xf32>
    %get3A_8 = vector.shape_cast %get3A_7 : vector<1x512x1xf32> to vector<512xf32>
    %add3A = arith.addf %get3A_3, %get3A_8 : vector<512xf32>
    %add3A_9 = arith.constant 1.000000e+00 : f32
    %add3A_10 = vector.broadcast %add3A_9 : f32 to vector<512xf32>
    %add3A_11 = arith.addf %add3A, %add3A_10 : vector<512xf32>
    %rsqrt3A = math.rsqrt %add3A_11 : vector<512xf32>
    %get3A_12 = arith.constant 0 : index
    %get3A_13 = arith.constant 0 : index
    %get3A_14 = arith.constant 0 : index
    %get3A_15 = vector.load %arg1[%get3A_12, %get3A_13, %get3A_14] : memref<2x512x128xf32, #tpu.memory_space<vmem>>, vector<1x512x128xf32>
    %get3A_16 = vector.shape_cast %get3A_15 : vector<1x512x128xf32> to vector<512x128xf32>
    %broadcast_in_dim3A = vector.shape_cast %rsqrt3A : vector<512xf32> to vector<512x1xf32>
    %mul3A = vector.broadcast %broadcast_in_dim3A : vector<512x1xf32> to vector<512x128xf32>
    %mul3A_17 = arith.mulf %get3A_16, %mul3A : vector<512x128xf32>
    %get3A_18 = arith.constant 0 : index
    %get3A_19 = arith.constant 0 : index
    %get3A_20 = vector.load %arg2[%get3A_18, %get3A_19] : memref<2x128xf32, #tpu.memory_space<vmem>>, vector<1x128xf32>
    %get3A_21 = vector.shape_cast %get3A_20 : vector<1x128xf32> to vector<128xf32>
    %broadcast_in_dim3A_22 = vector.shape_cast %get3A_21 : vector<128xf32> to vector<1x128xf32>
    %add3A_23 = vector.broadcast %broadcast_in_dim3A_22 : vector<1x128xf32> to vector<512x128xf32>
    %add3A_24 = arith.addf %mul3A_17, %add3A_23 : vector<512x128xf32>
    %swap3A = arith.constant 0 : index
    %swap3A_25 = arith.constant 0 : index
    %swap3A_26 = vector.load %arg4[%swap3A, %swap3A_25] : memref<512x256xf32, #tpu.memory_space<vmem>>, vector<512x128xf32>
    tpu.vector_store %arg4[%swap3A, %swap3A_25], %add3A_24 {strides = array<i32>} : memref<512x256xf32, #tpu.memory_space<vmem>>, vector<512x128xf32>,
    %get3A_27 = arith.constant 1 : index
    %get3A_28 = arith.constant 0 : index
    %get3A_29 = arith.constant 0 : index
    %get3A_30 = vector.load %arg1[%get3A_27, %get3A_28, %get3A_29] : memref<2x512x128xf32, #tpu.memory_space<vmem>>, vector<1x512x128xf32>
    %get3A_31 = vector.shape_cast %get3A_30 : vector<1x512x128xf32> to vector<512x128xf32>
    %broadcast_in_dim3A_32 = vector.shape_cast %rsqrt3A : vector<512xf32> to vector<512x1xf32>
    %mul3A_33 = vector.broadcast %broadcast_in_dim3A_32 : vector<512x1xf32> to vector<512x128xf32>
    %mul3A_34 = arith.mulf %get3A_31, %mul3A_33 : vector<512x128xf32>
    %get3A_35 = arith.constant 1 : index
    %get3A_36 = arith.constant 0 : index
    %get3A_37 = vector.load %arg2[%get3A_35, %get3A_36] : memref<2x128xf32, #tpu.memory_space<vmem>>, vector<1x128xf32>
    %get3A_38 = vector.shape_cast %get3A_37 : vector<1x128xf32> to vector<128xf32>
    %broadcast_in_dim3A_39 = vector.shape_cast %get3A_38 : vector<128xf32> to vector<1x128xf32>
    %add3A_40 = vector.broadcast %broadcast_in_dim3A_39 : vector<1x128xf32> to vector<512x128xf32>
    %add3A_41 = arith.addf %mul3A_34, %add3A_40 : vector<512x128xf32>
    %swap3A_42 = arith.constant 0 : index
    %swap3A_43 = arith.constant 128 : index
    %swap3A_44 = vector.load %arg4[%swap3A_42, %swap3A_43] : memref<512x256xf32, #tpu.memory_space<vmem>>, vector<512x128xf32>
    tpu.vector_store %arg4[%swap3A_42, %swap3A_43], %add3A_41 {strides = array<i32>} : memref<512x256xf32, #tpu.memory_space<vmem>>, vector<512x128xf32>,
    return
  }
  func.func @transform_0(%arg0: i32) -> (i32, i32, i32) {
    %c0_i32 = arith.constant 0 : i32
    %c0_i32_0 = arith.constant 0 : i32
    %c0_i32_1 = arith.constant 0 : i32
    return %c0_i32, %arg0, %c0_i32_0 : i32, i32, i32
  }
  func.func @transform_1(%arg0: i32) -> (i32, i32) {
    %c0_i32 = arith.constant 0 : i32
    %c0_i32_0 = arith.constant 0 : i32
    %c0_i32_1 = arith.constant 0 : i32
    return %c0_i32, %c0_i32_0 : i32, i32
  }
  func.func @transform_2(%arg0: i32) -> (i32, i32, i32) {
    %c0_i32 = arith.constant 0 : i32
    %c0_i32_0 = arith.constant 0 : i32
    %c0_i32_1 = arith.constant 0 : i32
    return %c0_i32, %arg0, %c0_i32_0 : i32, i32, i32
  }
  func.func @transform_3(%arg0: i32) -> (i32, i32) {
    %c0_i32 = arith.constant 0 : i32
    %c0_i32_0 = arith.constant 0 : i32
    return %arg0, %c0_i32 : i32, i32
  }
}

</mosaic_0001>

<sc_bundles>
// kernel: kernel.11.cloned.1.call-start
scs
__scs_entry_jumppad:
0x0: {  	(pc) =	sbr.rel $0x88, $3  }
0x1: {  	(tag) =	ssettag $0x0;
	lr =	simm.s32 $0x1  }
0x2: {  	[smem:$0x3F9B] =	sst lr;
	_ =	strace $0xD0000000  }
0x3: {  	_ = 	snop  }
0x4: {  	_ = 	snop  }
0x5: {  	_ = 	snop  }
0x6: {  	_ = 	snop  }
0x7: {  	_ = 	snop  }
__scs_overlays_trampoline_lowered:
0x8: {  	[smem:$0x3FAA] =	sst s0  }
0x9: {  	[smem:$0x3FAB] =	sst s1  }
0xa: {  	[smem:$0x3FAC] =	sst s2  }
0xb: {  	[smem:$0x3FAD] =	sst s3  }
0xc: {  	[smem:$0x3FAE] =	sst s4  }
0xd: {  	[smem:$0x3FAF] =	sst s5  }
0xe: {  	[smem:$0x3FB0] =	sst s6  }
0xf: {  	[smem:$0x3FB1] =	sst s7  }
0x10: {  	[smem:$0x3FB2] =	sst s8  }
0x11: {  	[smem:$0x3FB3] =	sst s9;
	s0 =	simm.s32 @!p0 $0x0  }
0x12: {  	s1 =	sld [smem:$0x3F99];
	s0 =	simm.s32 @p0 $0x1  }
0x13: {  	[smem:$0x3FB4] =	sst s0;
	s0 =	simm.s32 @!p1 $0x0  }
0x14: {  	s2 =	sld [smem:$0x3F98];
	s0 =	simm.s32 @p1 $0x1  }
0x15: {  	[smem:$0x3FB5] =	sst s0;
	s0 =	simm.s32 @!p2 $0x0  }
0x16: {  	s3 =	sld [smem:$0x3FDB];
	s0 =	simm.s32 @p2 $0x1  }
0x17: {  	s4 =	simm.s32 $0x1BF5;
	[smem:$0x3FB7] =	sst s0  }
0x18: {  	s0 =	sld [smem:$0x3F9A];
	_ =	swait.ge [sflag:s4], $0x0  }
0x19: {  	s7 =	sld [smem:$0x3F9B]  }
0x1a: {  	s8 =	sadd.s32 $0xFFFFE003, lr  }
0x1b: {  	s9 =	sadd.s32 $0xFFFFFEF7, lr;
	s5 =	simm.s32 $0xFFFFFFFF;
	p2 =	slt.u32 s8, $0xFFFFF086  }
0x1c: {  	p1 =	slt.u32 s9, $0xF7A;
	s5 =	simm.s32 @!p2 $0x0  }
0x1d: {  	s5 =	simm.s32 @p1 $0x1;
	p0 =	seq.s32 s7, s2  }
0x1e: {  	s7 =	smul.u32 @!p0 $0xF7A, s2;
	p2 =	seq.s32 @!p0 s5, $0x0  }
0x1f: {  	s9 =	smul.u32 $0xF7A, s1;
	s8 =	simm.s32 @!p0 $0x1BF5;
	p2 =	por !p2, p0  }
0x20: {  	[sflag:s8] =	ssyncset.s32 @!p0 $0xFFFFF086;
	s6 =	sadd.s32 @!p0 s3, s7;
	s7 =	simm.s32 @!p0 $0x108  }
0x21: {  	s3 =	sadd.s32 s3, s9;
	s6 =	sadd.s32 @!p0 $0x88, s6;
	s7 =	simm.s32 @p2 $0x1082  }
0x22: {  	[simem:s7], [sflag:s8] =	dma.local @!p0 [hbm:s6], $0xF7A  }
0x23: {  	s9 =	sor.u32 $0xD0000000, s2;
	s6 =	simm.s32 $0x108;
	_ =	swait.ge @!p0 [sflag:s8], $0x0  }
0x24: {  	s3 =	sadd.s32 $0x88, s3;
	s6 =	simm.s32 @!p1 $0x1082;
	[sflag:s4] =	ssyncset.s32 $0xFFFFF086  }
0x25: {  	[simem:s6], [sflag:s4] =	dma.local [hbm:s3], $0xF7A  }
0x26: {  	[smem:$0x3F9B] =	sst s1;
	(tag) =	ssettag s2;
	_ =	strace s9  }
0x27: {  	s1 =	sld [smem:$0x3FAB]  }
0x28: {  	s2 =	sld [smem:$0x3FAC]  }
0x29: {  	s4 =	sld [smem:$0x3FAE]  }
0x2a: {  	p0 =	seq.s32 s5, $0x0;
	s5 =	sld [smem:$0x3FAF]  }
0x2b: {  	s6 =	sld [smem:$0x3FB0]  }
0x2c: {  	s7 =	sld [smem:$0x3FB1]  }
0x2d: {  	s3 =	simm.s32 $0x108;
	s8 =	sld [smem:$0x3FB2]  }
0x2e: {  	s3 =	simm.s32 @!p0 $0x1082;
	s9 =	sld [smem:$0x3FB3]  }
0x2f: {  	lr =	sadd.s32 s0, s3;
	s0 =	sld [smem:$0x3FAA]  }
0x30: {  	s3 =	sld [smem:$0x3FAD]  }
0x31: {  	[smem:$0x3FB6] =	sst s10  }
0x32: {  	s10 =	sld [smem:$0x3FB4];
	_ =	sdelay $0x3  }
0x33: {  	p0 =	seq.s32 s10, $0x1;
	s10 =	sld [smem:$0x3FB6];
	_ =	sdelay $0x3  }
0x34: {  	[smem:$0x3FB6] =	sst s10  }
0x35: {  	s10 =	sld [smem:$0x3FB5];
	_ =	sdelay $0x3  }
0x36: {  	p1 =	seq.s32 s10, $0x1;
	s10 =	sld [smem:$0x3FB6];
	_ =	sdelay $0x3  }
0x37: {  	[smem:$0x3FB6] =	sst s10  }
0x38: {  	s10 =	sld [smem:$0x3FB7]  }
0x39: {  	_ = 	snop;
	(pc) =	sbr.ind lr, $3  }
0x3a: {  	_ = 	snop  }
0x3b: {  	_ = 	snop  }
0x3c: {  	p2 =	seq.s32 s10, $0x1;
	s10 =	sld [smem:$0x3FB6]  }
0x3d: {  	_ =	shalt  }
0x3e: {  	_ =	shalt  }
0x3f: {  	_ =	shalt  }
0x40: {  	_ =	shalt  }
0x41: {  	_ =	shalt  }
0x42: {  	_ =	shalt  }
0x43: {  	_ =	shalt  }
0x44: {  	_ =	shalt  }
0x45: {  	_ =	shalt  }
0x46: {  	_ =	shalt  }
0x47: {  	_ =	shalt  }
0x48: {  	_ =	shalt  }
0x49: {  	_ =	shalt  }
0x4a: {  	_ =	shalt  }
0x4b: {  	_ =	shalt  }
0x4c: {  	_ =	shalt  }
0x4d: {  	_ =	shalt  }
0x4e: {  	_ =	shalt  }
0x4f: {  	_ =	shalt  }
0x50: {  	_ =	shalt  }
0x51: {  	_ =	shalt  }
0x52: {  	_ =	shalt  }
0x53: {  	_ =	shalt  }
0x54: {  	_ =	shalt  }
0x55: {  	_ =	shalt  }
0x56: {  	_ =	shalt  }
0x57: {  	_ =	shalt  }
0x58: {  	_ =	shalt  }
0x59: {  	_ =	shalt  }
0x5a: {  	_ =	shalt  }
0x5b: {  	_ =	shalt  }
0x5c: {  	_ =	shalt  }
0x5d: {  	_ =	shalt  }
0x5e: {  	_ =	shalt  }
0x5f: {  	_ =	shalt  }
0x60: {  	_ =	shalt  }
0x61: {  	_ =	shalt  }
0x62: {  	_ =	shalt  }
0x63: {  	_ =	shalt  }
0x64: {  	_ =	shalt  }
0x65: {  	_ =	shalt  }
0x66: {  	_ =	shalt  }
0x67: {  	_ =	shalt  }
0x68: {  	_ =	shalt  }
0x69: {  	_ =	shalt  }
0x6a: {  	_ =	shalt  }
0x6b: {  	_ =	shalt  }
0x6c: {  	_ =	shalt  }
0x6d: {  	_ =	shalt  }
0x6e: {  	_ =	shalt  }
0x6f: {  	_ =	shalt  }
0x70: {  	_ =	shalt  }
0x71: {  	_ =	shalt  }
0x72: {  	_ =	shalt  }
0x73: {  	_ =	shalt  }
0x74: {  	_ =	shalt  }
0x75: {  	_ =	shalt  }
0x76: {  	_ =	shalt  }
0x77: {  	_ =	shalt  }
0x78: {  	_ =	shalt  }
0x79: {  	_ =	shalt  }
0x7a: {  	_ =	shalt  }
0x7b: {  	_ =	shalt  }
0x7c: {  	_ =	shalt  }
0x7d: {  	_ =	shalt  }
0x7e: {  	_ =	shalt  }
0x7f: {  	_ =	shalt  }
0x80: {  	_ =	shalt  }
0x81: {  	_ =	shalt  }
0x82: {  	_ =	shalt  }
0x83: {  	_ =	shalt  }
0x84: {  	_ =	shalt  }
0x85: {  	_ =	shalt  }
0x86: {  	_ =	shalt  }
0x87: {  	_ =	shalt  }
.Lfunc_end0:
.L_simem_size_0:
called_computation.1_lowered:
.L_overlay_start_0:
0x88: {  	s2 =	sld [smem:$0x3FD9]  }
0x89: {  	s3 =	sld [smem:$0x3FFE];
	_ =	sdelay $0x1  }
0x8a: {  	s1 =	srdreg.scid  }
0x8b: {  	s0 =	sand.u32 $0x1, s1  }
0x8c: {  	s16 =	sshll.u32 s0, $0xA;
	s2 =	sadd.s32 s3, s2  }
0x8d: {  	s2 =	sadd.s32 s2, s16  }
0x8e: {  	[smem:$0x3FC2] =	sst s2  }
0x8f: {  	_ = 	snop  }
0x90: {  	(tm) =	ssettm $0x1  }
0x91: {  	s17 =	sld [smem:$0x3FFB];
	_ =	sdelay $0x3  }
0x92: {  	_ =	strace s17  }
0x93: {  	s2 =	sld [smem:$0x3FFC];
	_ =	sdelay $0x3  }
0x94: {  	_ =	strace s2  }
0x95: {  	s2 =	sld [smem:$0x3FFD];
	_ =	sdelay $0x3  }
0x96: {  	_ =	strace s2  }
0x97: {  	_ =	strace $0x8FFFFFFF  }
0x98: {  	s18 =	sld [smem:$0x3FDB];
	_ =	sdelay $0x1  }
0x99: {  	s19 =	simm.s32 $_scs_section_size  }
0x9a: {  	s4 =	simm.s32 $_size__tile_overlayer_lowered;
	s5 =	simm.s32 $_tile_overlayer_lowered  }
0x9b: {  	s22 =	simm.s32 $0x1BFF;
	s21 =	sshll.u32 s5, $0x1;
	s2 =	sadd.s32 s19, s18  }
0x9c: {  	s6 =	simm.s32 $0x0;
	s20 =	sshll.u32 s4, $0x1;
	s4 =	sadd.s32 s21, s2  }
0x9d: {  	[timem:s6], [sflag:s22] =	dma.local [hbm:s4], s20  }
0x9e: {  	_ =	swait.ge [sflag:s22], s20  }
0x9f: {  	s3 =	ssub.s32 $0x0, s20;
	[sflag:s22] =	ssyncset.done $0x0  }
0xa0: {  	[sflag:s22] =	ssyncadd.s32 s3;
	_ =	sdelay $0x1  }
0xa1: {  	s23 =	simm.s32 $0x1B8B  }
0xa2: {  	_ =	swait.ge [sflag:s23], $0x1  }
0xa3: {  	[sflag:s23] =	ssyncset.done $0x0  }
0xa4: {  	s25 =	simm.s32 $0x1B8E;
	s24 =	sld [smem:$0x3FFE];
	[sflag:s23] =	ssyncadd.s32 $0xFFFFFFFF  }
0xa5: {  	s26 =	simm.s32 $execute0_lowered;
	[smem:$0x3FD2] =	sst s25  }
0xa6: {  	s4 =	sshll.u32 s26, $0x1;
	_ =	strace $0x80000049;
	[dreg:$0x1] =	wrdreg $0xFFFFFFFF  }
0xa7: {  	s28 =	simm.s32 $_size_execute0_lowered;
	s2 =	sadd.s32 s2, s4;
	[dreg:$0x0] =	wrdreg $0x0  }
0xa8: {  	s4 =	sshll.u32 s28, $0x1;
	[dreg:$0x2] =	wrdreg s2  }
0xa9: {  	[dreg:$0x3] =	wrdreg s4  }
0xaa: {  	[dreg:$0x4] =	wrdreg $0xC0  }
0xab: {  	_ =	task [dreg:s6], $0x5FFFF  }
0xac: {  	[dreg:$0x1] =	wrdreg $0xFFFFFFFF  }
0xad: {  	[dreg:$0x0] =	wrdreg $0x60  }
0xae: {  	[dreg:$0x2] =	wrdreg s24  }
0xaf: {  	[dreg:$0x3] =	wrdreg $0x90000  }
0xb0: {  	[dreg:$0x4] =	wrdreg $0x9  }
0xb1: {  	_ =	task.clear_ibuf [dreg:s6], $0x5FFFF;
	_ =	strace $0x90000049  }
0xb2: {  	s29 =	simm.s32 $0x9;
	_ =	strace $0x8000004B  }
0xb3: {  	_ =	swait.ge [sflag:s29], $0x1  }
0xb4: {  	[sflag:s29] =	ssyncadd.s32 $0xFFFFFFFF  }
0xb5: {  	_ =	strace $0x9000004B  }
0xb6: {  	_ =	sfence  }
0xb7: {  	s30 =	sld [smem:$0x0];
	_ =	sdelay $0x2  }
0xb8: {  	s31 =	sshll.u32 s1, $0xD;
	s1 =	sshrl.u32 s1, $0x2  }
0xb9: {  	s3 =	sand.u32 $0x4000, s31;
	s1 =	sadd.s32 s1, s30  }
0xba: {  	s0 =	sor.u32 s3, s0;
	s1 =	sshll.u32 s1, $0x11  }
0xbb: {  	s0 =	sor.u32 s1, s0  }
0xbc: {  	s0 =	sadd.s32 $0x8F2B, s0  }
0xbd: {  	[sflag:s0] =	ssyncadd.remote.s32 $0x1  }
0xbe: {  	_ =	sfence.sel $0xFFFF  }
0xbf: {  	[dreg:$0x0] =	wrdreg $0xFFFFFFFF;
	(pc) =	sbr.abs _section_cstart, $3  }
0xc0: {  	[dreg:$0x1] =	wrdreg $0xFFFFFFFF  }
0xc1: {  	_ =	task.clear_ibuf [dreg:s6], $0x2FFFF;
	_ =	strace $0x9FFFFFFF  }
0xc2: {  	(tm) =	ssettm $0x7FFFFFFF  }
0xc3: {  	_ =	shalt  }
tec
execute0_lowered:
.L_overlay_start_1:
0x0: {  	(tag) =	ssettag $0x1  }
0x1: {  	s0 =	rddreg [dreg:$0x0]  }
0x2: {  	s2 =	rddreg [dreg:$0x1];
	s3 =	simm.s32 $0x0  }
0x3: {  	s22 =	stileid.u32;
	s1 =	srdreg.scid;
	s21 =	simm.s32 $0x2  }
0x4: {  	s23 =	simm.s32 $0x2800;
	s25 =	simm.s32 $0x80;
	s5 =	smul.u32 $0x500, s22  }
0x5: {  	s26 =	simm.s32 $0x5000;
	s28 =	simm.s32 $0x1;
	s8 =	smul.u32 $0x50000, s22  }
0x6: {  	s29 =	simm.s32 $0x0;
	[smem:$0x7FF] =	sst s3;
	s10 =	smul.u32 $0x14000, s22  }
0x7: {  	s1 =	sand.u32 $0x1, s1;
	s4 =	sadd.s32 $0x5C800, s0;
	s13 =	smul.u32 $0x2800, s22  }
0x8: {  	s16 =	sadd.s32 $0x84800, s0;
	s19 =	sadd.s32 $0xD4800, s0;
	s22 =	sshll.u32 s22, $0x6  }
0x9: {  	_ =	strace $0x8000004A;
	s6 =	ssub.s32 $0x2, s1;
	p0 =	sne.s32 s1, $0x0  }
0xa: {  	s24 =	sor.u32 $0x1C02, s22;
	s7 =	sadd.s32 s5, s0;
	s9 =	sshrl.u32 s6, $0x1  }
0xb: {  	s5 =	sadd.s32 $0xFC800, s0;
	s8 =	sshrl.u32 s8, $0x2;
	s17 =	sshrl.u32 s10, $0x3  }
0xc: {  	s10 =	sadd.s32 $0xAC800, s0;
	s12 =	sadd.s32 s4, s13;
	s20 =	ssub.s32 s6, s9  }
.Ltmp0:
0xd: {  	s6 =	sadd.s32 $0x2000, s7;
	s7 =	sadd.s32 $0x7000, s7;
	(pc) =	sbr.rel .LBB2_1-.Ltmp0, $4  }
0xe: {  	s8 =	sadd.s32 s8, s2;
	s11 =	sadd.s32 $0x50000, s17;
	s13 =	sadd.s32 s5, s13  }
0xf: {  	s14 =	sadd.s32 $0x28000, s17;
	s17 =	sadd.s32 $0x78000, s17;
	s30 =	sadd.s32 s4, s11  }
0x10: {  	s31 =	sadd.s32 s5, s11;
	s15 =	sadd.s32 s4, s14;
	[dreg:$0x3] =	wrdreg s30  }
0x11: {  	s18 =	sadd.s32 s4, s17;
	s20 =	smax.u32 s20, $0x1;
	[dreg:$0x4] =	wrdreg s31  }
.LBB2_11:
0x12: {  	s0 =	sshra.s32 s0, $0x2;
	[sflag:s21] =	ssyncadd.s32 $0xFFFFC000  }
0x13: {  	[tilespmem:s26], [sflag:$0x1] =	stream.indirect.gather [hbm4b:s19+s25], $0x80, s0, s25, $0xb8;
	[tilespmem:$0x1D000] =	vst v63  }
0x14: {  	_ =	swait.ge [sflag:s28], $0x4000  }
0x15: {  	[sflag:s28] =	ssyncset.done $0x0  }
0x16: {  	s0 =	sadd.s32 $0x2800, s0;
	[sflag:s28] =	ssyncadd.s32 $0xFFFFC000  }
0x17: {  	[spmem:s2] =	stream.indirect.scatter.add.f32 [tilespmem:s26], [sflag:$0x2], $0x80, s0, s25, $0xb8;
	[tilespmem:$0x1D000] =	vst v63  }
0x18: {  	_ =	swait.ge [sflag:s21], $0x4000  }
0x19: {  	[sflag:s21] =	ssyncset.done $0x0  }
0x1a: {  	s0 =	smov.u32 s17;
	[sflag:s21] =	ssyncadd.s32 $0xFFFFC000  }
.LBB2_12:
0x1b: {  	s0 =	sadd.s32 s5, s0;
	[bflag:$0x0] =	sbarrier.arrive $0xFFFF;
	s29 =	sadd.s32 $0x1, s29  }
0x1c: {  	[hbm:s0], [sflag:s31] =	dma.local [spmem:s30], $0x2800  }
0x1d: {  	p1 =	sne.s32 s29, s20  }
.Ltmp1:
0x1e: {  	_ =	swait.ge [sflag:s21], $0x2800;
	(pc) =	sbr.rel @!p1 .LBB2_13-.Ltmp1, $3  }
0x1f: {  	[sflag:s21] =	ssyncset.done $0x0  }
0x20: {  	[sflag:s21] =	ssyncadd.s32 $0xFFFFD800  }
0x21: {  	[bflag:$0x0] =	sbarrier.arrive $0xFFFF;
	_ =	sdelay $0x1  }
.LBB2_1:
0x22: {  	[tilespmem:s3], [sflag:$0x2] =	stream.linear.gather [hbm4b:s6+s3], $0x2800, $0x38;
	[tilespmem:$0x1D000] =	vst v63  }
0x23: {  	_ =	swait.ge [sflag:s21], $0x2800  }
0x24: {  	[sflag:s21] =	ssyncset.done $0x0  }
.Ltmp2:
0x25: {  	[sflag:s21] =	ssyncadd.s32 $0xFFFFD800;
	(pc) =	sbr.rel @p0 .LBB2_7-.Ltmp2, $4  }
0x26: {  	[tilespmem:s23], [sflag:$0x2] =	stream.linear.gather [hbm4b:s7+s3], $0x2800, $0x38;
	[tilespmem:$0x1D000] =	vst v63  }
0x27: {  	_ =	swait.ge [sflag:s21], $0x2800  }
0x28: {  	[sflag:s21] =	ssyncset.done $0x0  }
0x29: {  	s30 =	sshrl.u32 s8, $0x3;
	[sflag:s21] =	ssyncadd.s32 $0xFFFFD800  }
0x2a: {  	[spmem:s30], [sflag:s24] =	dma.local [hbm:s12], $0x2800  }
0x2b: {  	_ =	swait.ge [sflag:s21], $0x2800  }
0x2c: {  	[sflag:s21] =	ssyncset.done $0x0  }
0x2d: {  	[sflag:s21] =	ssyncadd.s32 $0xFFFFD800  }
0x2e: {  	s0 =	simm.s32 $0x0;
	[bflag:$0x0] =	sbarrier.arrive $0xFFFF  }
0x2f: {  	[tilespmem:s26], [sflag:$0x1] =	stream.indirect.gather [hbm4b:s4+s25], $0x80, s0, s25, $0xb8;
	[tilespmem:$0x1D000] =	vst v63  }
0x30: {  	_ =	swait.ge [sflag:s28], $0x4000  }
0x31: {  	[sflag:s28] =	ssyncset.done $0x0  }
0x32: {  	s11 =	simm.s32 $0x2800;
	[sflag:s28] =	ssyncadd.s32 $0xFFFFC000  }
0x33: {  	[spmem:s2] =	stream.indirect.scatter.add.f32 [tilespmem:s26], [sflag:$0x2], $0x80, s11, s25, $0xb8;
	[tilespmem:$0x1D000] =	vst v63  }
0x34: {  	_ =	swait.ge [sflag:s21], $0x4000  }
0x35: {  	s31 =	simm.s32 $0x200;
	s0 =	simm.s32 $0x400;
	[sflag:s21] =	ssyncset.done $0x0  }
.LBB2_3:
0x36: {  	s1 =	sshra.s32 s31, $0x2  }
0x37: {  	[sflag:s21] =	ssyncadd.s32 $0xFFFFC000;
	s31 =	smov.u32 s0;
	s9 =	sadd.s32 $0x200, s0  }
0x38: {  	[tilespmem:s26], [sflag:$0x1] =	stream.indirect.gather [hbm4b:s4+s25], $0x80, s1, s25, $0xb8;
	[tilespmem:$0x1D000] =	vst v63  }
0x39: {  	p1 =	sne.s32 s0, $0x9E00;
	_ =	swait.ge [sflag:s28], $0x4000  }
.Ltmp3:
0x3a: {  	[sflag:s28] =	ssyncset.done $0x0;
	(pc) =	sbr.rel @p1 .LBB2_3-.Ltmp3, $4  }
0x3b: {  	s0 =	sadd.s32 $0x2800, s1;
	[sflag:s28] =	ssyncadd.s32 $0xFFFFC000  }
0x3c: {  	[spmem:s2] =	stream.indirect.scatter.add.f32 [tilespmem:s26], [sflag:$0x2], $0x80, s0, s25, $0xb8;
	[tilespmem:$0x1D000] =	vst v63  }
0x3d: {  	_ =	swait.ge [sflag:s21], $0x4000  }
0x3e: {  	s0 =	smov.u32 s9;
	[sflag:s21] =	ssyncset.done $0x0  }
0x3f: {  	s0 =	sshra.s32 s31, $0x2;
	[sflag:s21] =	ssyncadd.s32 $0xFFFFC000  }
0x40: {  	[tilespmem:s26], [sflag:$0x1] =	stream.indirect.gather [hbm4b:s4+s25], $0x80, s0, s25, $0xb8;
	[tilespmem:$0x1D000] =	vst v63  }
0x41: {  	_ =	swait.ge [sflag:s28], $0x4000  }
0x42: {  	[sflag:s28] =	ssyncset.done $0x0  }
0x43: {  	s0 =	sadd.s32 $0x2800, s0;
	[sflag:s28] =	ssyncadd.s32 $0xFFFFC000  }
0x44: {  	[spmem:s2] =	stream.indirect.scatter.add.f32 [tilespmem:s26], [sflag:$0x2], $0x80, s0, s25, $0xb8;
	[tilespmem:$0x1D000] =	vst v63  }
0x45: {  	_ =	swait.ge [sflag:s21], $0x4000  }
0x46: {  	[sflag:s21] =	ssyncset.done $0x0  }
0x47: {  	[sflag:s21] =	ssyncadd.s32 $0xFFFFC000  }
0x48: {  	[bflag:$0x0] =	sbarrier.arrive $0xFFFF  }
0x49: {  	[hbm:s13], [sflag:s24] =	dma.local [spmem:s30], $0x2800  }
0x4a: {  	_ =	swait.ge [sflag:s21], $0x2800  }
0x4b: {  	[sflag:s21] =	ssyncset.done $0x0  }
0x4c: {  	[sflag:s21] =	ssyncadd.s32 $0xFFFFD800  }
0x4d: {  	[bflag:$0x0] =	sbarrier.arrive $0xFFFF  }
0x4e: {  	[spmem:s30], [sflag:s24] =	dma.local [hbm:s15], $0x2800  }
0x4f: {  	_ =	swait.ge [sflag:s21], $0x2800  }
0x50: {  	[sflag:s21] =	ssyncset.done $0x0  }
0x51: {  	[sflag:s21] =	ssyncadd.s32 $0xFFFFD800  }
0x52: {  	s11 =	simm.s32 $0x0;
	[bflag:$0x0] =	sbarrier.arrive $0xFFFF  }
0x53: {  	[tilespmem:s26], [sflag:$0x1] =	stream.indirect.gather [hbm4b:s16+s25], $0x80, s11, s25, $0xb8;
	[tilespmem:$0x1D000] =	vst v63  }
0x54: {  	_ =	swait.ge [sflag:s28], $0x4000  }
0x55: {  	[sflag:s28] =	ssyncset.done $0x0  }
0x56: {  	s31 =	simm.s32 $0x2800;
	[sflag:s28] =	ssyncadd.s32 $0xFFFFC000  }
0x57: {  	[spmem:s2] =	stream.indirect.scatter.add.f32 [tilespmem:s26], [sflag:$0x2], $0x80, s31, s25, $0xb8;
	[tilespmem:$0x1D000] =	vst v63  }
0x58: {  	_ =	swait.ge [sflag:s21], $0x4000  }
0x59: {  	s1 =	simm.s32 $0x400;
	s0 =	simm.s32 $0x200;
	[sflag:s21] =	ssyncset.done $0x0  }
.LBB2_5:
0x5a: {  	s9 =	sshra.s32 s0, $0x2  }
0x5b: {  	[sflag:s21] =	ssyncadd.s32 $0xFFFFC000;
	s0 =	smov.u32 s1;
	s11 =	sadd.s32 $0x200, s1  }
0x5c: {  	[tilespmem:s26], [sflag:$0x1] =	stream.indirect.gather [hbm4b:s16+s25], $0x80, s9, s25, $0xb8;
	[tilespmem:$0x1D000] =	vst v63  }
0x5d: {  	p1 =	seq.s32 s1, $0x9E00;
	_ =	swait.ge [sflag:s28], $0x4000  }
.Ltmp4:
0x5e: {  	[sflag:s28] =	ssyncset.done $0x0;
	(pc) =	sbr.rel @!p1 .LBB2_5-.Ltmp4, $4  }
0x5f: {  	s1 =	sadd.s32 $0x2800, s9;
	[sflag:s28] =	ssyncadd.s32 $0xFFFFC000  }
0x60: {  	[spmem:s2] =	stream.indirect.scatter.add.f32 [tilespmem:s26], [sflag:$0x2], $0x80, s1, s25, $0xb8;
	[tilespmem:$0x1D000] =	vst v63  }
0x61: {  	_ =	swait.ge [sflag:s21], $0x4000  }
0x62: {  	s1 =	smov.u32 s11;
	[sflag:s21] =	ssyncset.done $0x0  }
0x63: {  	s0 =	sshra.s32 s0, $0x2;
	[sflag:s21] =	ssyncadd.s32 $0xFFFFC000  }
0x64: {  	[tilespmem:s26], [sflag:$0x1] =	stream.indirect.gather [hbm4b:s16+s25], $0x80, s0, s25, $0xb8;
	[tilespmem:$0x1D000] =	vst v63  }
0x65: {  	_ =	swait.ge [sflag:s28], $0x4000  }
0x66: {  	[sflag:s28] =	ssyncset.done $0x0  }
.Ltmp5:
0x67: {  	s0 =	sadd.s32 $0x2800, s0;
	[sflag:s28] =	ssyncadd.s32 $0xFFFFC000;
	(pc) =	sbr.rel .LBB2_12-.Ltmp5, $4  }
0x68: {  	[spmem:s2] =	stream.indirect.scatter.add.f32 [tilespmem:s26], [sflag:$0x2], $0x80, s0, s25, $0xb8;
	[tilespmem:$0x1D000] =	vst v63  }
0x69: {  	_ =	swait.ge [sflag:s21], $0x4000  }
0x6a: {  	[sflag:s21] =	ssyncset.done $0x0  }
0x6b: {  	s31 =	smov.u32 s24;
	s0 =	smov.u32 s14;
	[sflag:s21] =	ssyncadd.s32 $0xFFFFC000  }
.LBB2_7:
0x6c: {  	s31 =	sor.u32 $0x1C02, s22;
	s0 =	rddreg [dreg:$0x3]  }
0x6d: {  	[spmem:s30], [sflag:s31] =	dma.local [hbm:s0], $0x2800  }
0x6e: {  	_ =	swait.ge [sflag:s21], $0x2800  }
0x6f: {  	[sflag:s21] =	ssyncset.done $0x0  }
0x70: {  	[sflag:s21] =	ssyncadd.s32 $0xFFFFD800  }
0x71: {  	s9 =	simm.s32 $0x0;
	[bflag:$0x0] =	sbarrier.arrive $0xFFFF  }
0x72: {  	[tilespmem:s26], [sflag:$0x1] =	stream.indirect.gather [hbm4b:s10+s25], $0x80, s9, s25, $0xb8;
	[tilespmem:$0x1D000] =	vst v63  }
0x73: {  	_ =	swait.ge [sflag:s28], $0x4000  }
0x74: {  	[sflag:s28] =	ssyncset.done $0x0  }
0x75: {  	s11 =	simm.s32 $0x2800;
	[sflag:s28] =	ssyncadd.s32 $0xFFFFC000  }
0x76: {  	[spmem:s2] =	stream.indirect.scatter.add.f32 [tilespmem:s26], [sflag:$0x2], $0x80, s11, s25, $0xb8;
	[tilespmem:$0x1D000] =	vst v63  }
0x77: {  	_ =	swait.ge [sflag:s21], $0x4000  }
0x78: {  	s1 =	simm.s32 $0x400;
	s0 =	simm.s32 $0x200;
	[sflag:s21] =	ssyncset.done $0x0  }
.LBB2_8:
0x79: {  	s9 =	sshra.s32 s0, $0x2  }
0x7a: {  	[sflag:s21] =	ssyncadd.s32 $0xFFFFC000;
	s0 =	smov.u32 s1;
	s11 =	sadd.s32 $0x200, s1  }
0x7b: {  	[tilespmem:s26], [sflag:$0x1] =	stream.indirect.gather [hbm4b:s10+s25], $0x80, s9, s25, $0xb8;
	[tilespmem:$0x1D000] =	vst v63  }
0x7c: {  	p1 =	seq.s32 s1, $0x9E00;
	_ =	swait.ge [sflag:s28], $0x4000  }
.Ltmp6:
0x7d: {  	[sflag:s28] =	ssyncset.done $0x0;
	(pc) =	sbr.rel @!p1 .LBB2_8-.Ltmp6, $4  }
0x7e: {  	s1 =	sadd.s32 $0x2800, s9;
	[sflag:s28] =	ssyncadd.s32 $0xFFFFC000  }
0x7f: {  	[spmem:s2] =	stream.indirect.scatter.add.f32 [tilespmem:s26], [sflag:$0x2], $0x80, s1, s25, $0xb8;
	[tilespmem:$0x1D000] =	vst v63  }
0x80: {  	_ =	swait.ge [sflag:s21], $0x4000  }
0x81: {  	s1 =	smov.u32 s11;
	[sflag:s21] =	ssyncset.done $0x0  }
0x82: {  	s0 =	sshra.s32 s0, $0x2;
	[sflag:s21] =	ssyncadd.s32 $0xFFFFC000  }
0x83: {  	[tilespmem:s26], [sflag:$0x1] =	stream.indirect.gather [hbm4b:s10+s25], $0x80, s0, s25, $0xb8;
	[tilespmem:$0x1D000] =	vst v63  }
0x84: {  	_ =	swait.ge [sflag:s28], $0x4000  }
0x85: {  	[sflag:s28] =	ssyncset.done $0x0  }
0x86: {  	s0 =	sadd.s32 $0x2800, s0;
	[sflag:s28] =	ssyncadd.s32 $0xFFFFC000  }
0x87: {  	[spmem:s2] =	stream.indirect.scatter.add.f32 [tilespmem:s26], [sflag:$0x2], $0x80, s0, s25, $0xb8;
	[tilespmem:$0x1D000] =	vst v63  }
0x88: {  	_ =	swait.ge [sflag:s21], $0x4000  }
0x89: {  	[sflag:s21] =	ssyncset.done $0x0  }
0x8a: {  	[sflag:s21] =	ssyncadd.s32 $0xFFFFC000  }
0x8b: {  	[bflag:$0x0] =	sbarrier.arrive $0xFFFF  }
0x8c: {  	s1 =	rddreg [dreg:$0x4]  }
0x8d: {  	[hbm:s1], [sflag:s31] =	dma.local [spmem:s30], $0x2800  }
0x8e: {  	_ =	swait.ge [sflag:s21], $0x2800  }
0x8f: {  	[sflag:s21] =	ssyncset.done $0x0  }
0x90: {  	[sflag:s21] =	ssyncadd.s32 $0xFFFFD800  }
0x91: {  	[bflag:$0x0] =	sbarrier.arrive $0xFFFF  }
0x92: {  	[spmem:s30], [sflag:s31] =	dma.local [hbm:s18], $0x2800  }
0x93: {  	_ =	swait.ge [sflag:s21], $0x2800  }
0x94: {  	[sflag:s21] =	ssyncset.done $0x0  }
0x95: {  	[sflag:s21] =	ssyncadd.s32 $0xFFFFD800  }
0x96: {  	s9 =	simm.s32 $0x0;
	[bflag:$0x0] =	sbarrier.arrive $0xFFFF  }
0x97: {  	[tilespmem:s26], [sflag:$0x1] =	stream.indirect.gather [hbm4b:s19+s25], $0x80, s9, s25, $0xb8;
	[tilespmem:$0x1D000] =	vst v63  }
0x98: {  	_ =	swait.ge [sflag:s28], $0x4000  }
0x99: {  	[sflag:s28] =	ssyncset.done $0x0  }
0x9a: {  	s11 =	simm.s32 $0x2800;
	[sflag:s28] =	ssyncadd.s32 $0xFFFFC000  }
0x9b: {  	[spmem:s2] =	stream.indirect.scatter.add.f32 [tilespmem:s26], [sflag:$0x2], $0x80, s11, s25, $0xb8;
	[tilespmem:$0x1D000] =	vst v63  }
0x9c: {  	_ =	swait.ge [sflag:s21], $0x4000  }
0x9d: {  	s0 =	simm.s32 $0x200;
	s1 =	simm.s32 $0x400;
	[sflag:s21] =	ssyncset.done $0x0  }
.LBB2_10:
0x9e: {  	s9 =	sshra.s32 s0, $0x2  }
0x9f: {  	[sflag:s21] =	ssyncadd.s32 $0xFFFFC000;
	s0 =	smov.u32 s1;
	s11 =	sadd.s32 $0x200, s1  }
0xa0: {  	[tilespmem:s26], [sflag:$0x1] =	stream.indirect.gather [hbm4b:s19+s25], $0x80, s9, s25, $0xb8;
	[tilespmem:$0x1D000] =	vst v63  }
0xa1: {  	p1 =	sne.s32 s1, $0x9E00;
	_ =	swait.ge [sflag:s28], $0x4000  }
.Ltmp7:
0xa2: {  	[sflag:s28] =	ssyncset.done $0x0;
	(pc) =	sbr.rel @p1 .LBB2_10-.Ltmp7, $4  }
0xa3: {  	s1 =	sadd.s32 $0x2800, s9;
	[sflag:s28] =	ssyncadd.s32 $0xFFFFC000  }
0xa4: {  	[spmem:s2] =	stream.indirect.scatter.add.f32 [tilespmem:s26], [sflag:$0x2], $0x80, s1, s25, $0xb8;
	[tilespmem:$0x1D000] =	vst v63  }
0xa5: {  	_ =	swait.ge [sflag:s21], $0x4000  }
0xa6: {  	s1 =	smov.u32 s11;
	[sflag:s21] =	ssyncset.done $0x0  }
.Ltmp8:
0xa7: {  	_ = 	snop;
	(pc) =	sbr.rel .LBB2_11-.Ltmp8, $1  }
0xa8: {  	_ =	sdelay $0x3  }
.LBB2_13:
0xa9: {  	_ =	sfence.sel $0x180000  }
0xaa: {  	[bflag:$0x0] =	sbarrier.arrive $0xFFFF  }
0xab: {  	_ =	strace $0x9000004A  }
0xac: {  	s0 =	stileid.u32;
	[bflag:$0x2] =	sbarrier.arrive $0xFFFF  }
0xad: {  	p0 =	sne.s32 s0, $0x0;
	s0 =	rddreg [dreg:$0x2]  }
0xae: {  	s0 =	sadd.s32 @!p0 $0x100000, s0  }
0xaf: {  	[sflag:s0] =	ssyncadd.tile.s32 @!p0 $0x1;
	_ =	shalt  }
.Lfunc_end2:
_tile_overlayer_lowered:
.L_overlay_start_2:
0xb0: {  	(tag) =	ssettag $0x2  }
0xb1: {  	s0 =	rddreg [dreg:$0x0];
	s2 =	stileid.u32  }
0xb2: {  	s1 =	rddreg [dreg:$0x1];
	p0 =	sne.s32 s2, $0x0  }
0xb3: {  	s3 =	rddreg [dreg:$0x2];
	[bflag:$0x3] =	sbarrier.arrive $0xFFFF;
	s2 =	simm.s32 @!p0 $0x1C02  }
0xb4: {  	[timem:s3], [sflag:s2] =	dma.local @!p0 [hbm:s0], s1  }
0xb5: {  	s0 =	simm.s32 @!p0 $0x2  }
0xb6: {  	_ =	swait.ge @!p0 [sflag:s0], s1  }
0xb7: {  	s1 =	ssub.s32 @!p0 $0x0, s1;
	[sflag:s0] =	ssyncset.done @!p0 $0x0  }
0xb8: {  	[sflag:s0] =	ssyncadd.s32 @!p0 s1  }
0xb9: {  	[bflag:$0x3] =	sbarrier.arrive $0xFFFF  }
0xba: {  	_ =	shalt  }

// kernel: kernel.14.cloned.1.call-start
scs
__scs_entry_jumppad:
0x0: {  	(pc) =	sbr.rel $0x88, $3  }
0x1: {  	(tag) =	ssettag $0x0;
	lr =	simm.s32 $0x1  }
0x2: {  	[smem:$0x3F9B] =	sst lr;
	_ =	strace $0xD0000000  }
0x3: {  	_ = 	snop  }
0x4: {  	_ = 	snop  }
0x5: {  	_ = 	snop  }
0x6: {  	_ = 	snop  }
0x7: {  	_ = 	snop  }
__scs_overlays_trampoline_lowered:
0x8: {  	[smem:$0x3FAA] =	sst s0  }
0x9: {  	[smem:$0x3FAB] =	sst s1  }
0xa: {  	[smem:$0x3FAC] =	sst s2  }
0xb: {  	[smem:$0x3FAD] =	sst s3  }
0xc: {  	[smem:$0x3FAE] =	sst s4  }
0xd: {  	[smem:$0x3FAF] =	sst s5  }
0xe: {  	[smem:$0x3FB0] =	sst s6  }
0xf: {  	[smem:$0x3FB1] =	sst s7  }
0x10: {  	[smem:$0x3FB2] =	sst s8  }
0x11: {  	[smem:$0x3FB3] =	sst s9;
	s0 =	simm.s32 @!p0 $0x0  }
0x12: {  	s1 =	sld [smem:$0x3F99];
	s0 =	simm.s32 @p0 $0x1  }
0x13: {  	[smem:$0x3FB4] =	sst s0;
	s0 =	simm.s32 @!p1 $0x0  }
0x14: {  	s2 =	sld [smem:$0x3F98];
	s0 =	simm.s32 @p1 $0x1  }
0x15: {  	[smem:$0x3FB5] =	sst s0;
	s0 =	simm.s32 @!p2 $0x0  }
0x16: {  	s3 =	sld [smem:$0x3FDB];
	s0 =	simm.s32 @p2 $0x1  }
0x17: {  	s4 =	simm.s32 $0x1BF5;
	[smem:$0x3FB7] =	sst s0  }
0x18: {  	s0 =	sld [smem:$0x3F9A];
	_ =	swait.ge [sflag:s4], $0x0  }
0x19: {  	s7 =	sld [smem:$0x3F9B]  }
0x1a: {  	s8 =	sadd.s32 $0xFFFFE003, lr  }
0x1b: {  	s9 =	sadd.s32 $0xFFFFFEF7, lr;
	s5 =	simm.s32 $0xFFFFFFFF;
	p2 =	slt.u32 s8, $0xFFFFF086  }
0x1c: {  	p1 =	slt.u32 s9, $0xF7A;
	s5 =	simm.s32 @!p2 $0x0  }
0x1d: {  	s5 =	simm.s32 @p1 $0x1;
	p0 =	seq.s32 s7, s2  }
0x1e: {  	s7 =	smul.u32 @!p0 $0xF7A, s2;
	p2 =	seq.s32 @!p0 s5, $0x0  }
0x1f: {  	s9 =	smul.u32 $0xF7A, s1;
	s8 =	simm.s32 @!p0 $0x1BF5;
	p2 =	por !p2, p0  }
0x20: {  	[sflag:s8] =	ssyncset.s32 @!p0 $0xFFFFF086;
	s6 =	sadd.s32 @!p0 s3, s7;
	s7 =	simm.s32 @!p0 $0x108  }
0x21: {  	s3 =	sadd.s32 s3, s9;
	s6 =	sadd.s32 @!p0 $0x88, s6;
	s7 =	simm.s32 @p2 $0x1082  }
0x22: {  	[simem:s7], [sflag:s8] =	dma.local @!p0 [hbm:s6], $0xF7A  }
0x23: {  	s9 =	sor.u32 $0xD0000000, s2;
	s6 =	simm.s32 $0x108;
	_ =	swait.ge @!p0 [sflag:s8], $0x0  }
0x24: {  	s3 =	sadd.s32 $0x88, s3;
	s6 =	simm.s32 @!p1 $0x1082;
	[sflag:s4] =	ssyncset.s32 $0xFFFFF086  }
0x25: {  	[simem:s6], [sflag:s4] =	dma.local [hbm:s3], $0xF7A  }
0x26: {  	[smem:$0x3F9B] =	sst s1;
	(tag) =	ssettag s2;
	_ =	strace s9  }
0x27: {  	s1 =	sld [smem:$0x3FAB]  }
0x28: {  	s2 =	sld [smem:$0x3FAC]  }
0x29: {  	s4 =	sld [smem:$0x3FAE]  }
0x2a: {  	p0 =	seq.s32 s5, $0x0;
	s5 =	sld [smem:$0x3FAF]  }
0x2b: {  	s6 =	sld [smem:$0x3FB0]  }
0x2c: {  	s7 =	sld [smem:$0x3FB1]  }
0x2d: {  	s3 =	simm.s32 $0x108;
	s8 =	sld [smem:$0x3FB2]  }
0x2e: {  	s3 =	simm.s32 @!p0 $0x1082;
	s9 =	sld [smem:$0x3FB3]  }
0x2f: {  	lr =	sadd.s32 s0, s3;
	s0 =	sld [smem:$0x3FAA]  }
0x30: {  	s3 =	sld [smem:$0x3FAD]  }
0x31: {  	[smem:$0x3FB6] =	sst s10  }
0x32: {  	s10 =	sld [smem:$0x3FB4];
	_ =	sdelay $0x3  }
0x33: {  	p0 =	seq.s32 s10, $0x1;
	s10 =	sld [smem:$0x3FB6];
	_ =	sdelay $0x3  }
0x34: {  	[smem:$0x3FB6] =	sst s10  }
0x35: {  	s10 =	sld [smem:$0x3FB5];
	_ =	sdelay $0x3  }
0x36: {  	p1 =	seq.s32 s10, $0x1;
	s10 =	sld [smem:$0x3FB6];
	_ =	sdelay $0x3  }
0x37: {  	[smem:$0x3FB6] =	sst s10  }
0x38: {  	s10 =	sld [smem:$0x3FB7]  }
0x39: {  	_ = 	snop;
	(pc) =	sbr.ind lr, $3  }
0x3a: {  	_ = 	snop  }
0x3b: {  	_ = 	snop  }
0x3c: {  	p2 =	seq.s32 s10, $0x1;
	s10 =	sld [smem:$0x3FB6]  }
0x3d: {  	_ =	shalt  }
0x3e: {  	_ =	shalt  }
0x3f: {  	_ =	shalt  }
0x40: {  	_ =	shalt  }
0x41: {  	_ =	shalt  }
0x42: {  	_ =	shalt  }
0x43: {  	_ =	shalt  }
0x44: {  	_ =	shalt  }
0x45: {  	_ =	shalt  }
0x46: {  	_ =	shalt  }
0x47: {  	_ =	shalt  }
0x48: {  	_ =	shalt  }
0x49: {  	_ =	shalt  }
0x4a: {  	_ =	shalt  }
0x4b: {  	_ =	shalt  }
0x4c: {  	_ =	shalt  }
0x4d: {  	_ =	shalt  }
0x4e: {  	_ =	shalt  }
0x4f: {  	_ =	shalt  }
0x50: {  	_ =	shalt  }
0x51: {  	_ =	shalt  }
0x52: {  	_ =	shalt  }
0x53: {  	_ =	shalt  }
0x54: {  	_ =	shalt  }
0x55: {  	_ =	shalt  }
0x56: {  	_ =	shalt  }
0x57: {  	_ =	shalt  }
0x58: {  	_ =	shalt  }
0x59: {  	_ =	shalt  }
0x5a: {  	_ =	shalt  }
0x5b: {  	_ =	shalt  }
0x5c: {  	_ =	shalt  }
0x5d: {  	_ =	shalt  }
0x5e: {  	_ =	shalt  }
0x5f: {  	_ =	shalt  }
0x60: {  	_ =	shalt  }
0x61: {  	_ =	shalt  }
0x62: {  	_ =	shalt  }
0x63: {  	_ =	shalt  }
0x64: {  	_ =	shalt  }
0x65: {  	_ =	shalt  }
0x66: {  	_ =	shalt  }
0x67: {  	_ =	shalt  }
0x68: {  	_ =	shalt  }
0x69: {  	_ =	shalt  }
0x6a: {  	_ =	shalt  }
0x6b: {  	_ =	shalt  }
0x6c: {  	_ =	shalt  }
0x6d: {  	_ =	shalt  }
0x6e: {  	_ =	shalt  }
0x6f: {  	_ =	shalt  }
0x70: {  	_ =	shalt  }
0x71: {  	_ =	shalt  }
0x72: {  	_ =	shalt  }
0x73: {  	_ =	shalt  }
0x74: {  	_ =	shalt  }
0x75: {  	_ =	shalt  }
0x76: {  	_ =	shalt  }
0x77: {  	_ =	shalt  }
0x78: {  	_ =	shalt  }
0x79: {  	_ =	shalt  }
0x7a: {  	_ =	shalt  }
0x7b: {  	_ =	shalt  }
0x7c: {  	_ =	shalt  }
0x7d: {  	_ =	shalt  }
0x7e: {  	_ =	shalt  }
0x7f: {  	_ =	shalt  }
0x80: {  	_ =	shalt  }
0x81: {  	_ =	shalt  }
0x82: {  	_ =	shalt  }
0x83: {  	_ =	shalt  }
0x84: {  	_ =	shalt  }
0x85: {  	_ =	shalt  }
0x86: {  	_ =	shalt  }
0x87: {  	_ =	shalt  }
.Lfunc_end0:
.L_simem_size_0:
called_computation.2_lowered:
.L_overlay_start_0:
0x88: {  	s2 =	sld [smem:$0x3FD9]  }
0x89: {  	s3 =	sld [smem:$0x3FFE];
	_ =	sdelay $0x1  }
0x8a: {  	s1 =	srdreg.scid  }
0x8b: {  	s0 =	sand.u32 $0x1, s1  }
0x8c: {  	s16 =	sshll.u32 s0, $0xA;
	s2 =	sadd.s32 s3, s2  }
0x8d: {  	s2 =	sadd.s32 s2, s16  }
0x8e: {  	[smem:$0x3FC2] =	sst s2  }
0x8f: {  	_ = 	snop  }
0x90: {  	(tm) =	ssettm $0x1  }
0x91: {  	s17 =	sld [smem:$0x3FFB];
	_ =	sdelay $0x3  }
0x92: {  	_ =	strace s17  }
0x93: {  	s2 =	sld [smem:$0x3FFC];
	_ =	sdelay $0x3  }
0x94: {  	_ =	strace s2  }
0x95: {  	s2 =	sld [smem:$0x3FFD];
	_ =	sdelay $0x3  }
0x96: {  	_ =	strace s2  }
0x97: {  	_ =	strace $0x8FFFFFFF  }
0x98: {  	s18 =	sld [smem:$0x3FDB];
	_ =	sdelay $0x1  }
0x99: {  	s19 =	simm.s32 $_scs_section_size  }
0x9a: {  	s4 =	simm.s32 $_size__tile_overlayer_lowered;
	s5 =	simm.s32 $_tile_overlayer_lowered  }
0x9b: {  	s22 =	simm.s32 $0x1BFF;
	s21 =	sshll.u32 s5, $0x1;
	s2 =	sadd.s32 s19, s18  }
0x9c: {  	s6 =	simm.s32 $0x0;
	s20 =	sshll.u32 s4, $0x1;
	s4 =	sadd.s32 s21, s2  }
0x9d: {  	[timem:s6], [sflag:s22] =	dma.local [hbm:s4], s20  }
0x9e: {  	_ =	swait.ge [sflag:s22], s20  }
0x9f: {  	s3 =	ssub.s32 $0x0, s20;
	[sflag:s22] =	ssyncset.done $0x0  }
0xa0: {  	[sflag:s22] =	ssyncadd.s32 s3;
	_ =	sdelay $0x1  }
0xa1: {  	s23 =	simm.s32 $0x1B8B  }
0xa2: {  	_ =	swait.ge [sflag:s23], $0x1  }
0xa3: {  	[sflag:s23] =	ssyncset.done $0x0  }
0xa4: {  	s25 =	simm.s32 $0x1B8E;
	s24 =	sld [smem:$0x3FFE];
	[sflag:s23] =	ssyncadd.s32 $0xFFFFFFFF  }
0xa5: {  	s26 =	simm.s32 $execute0_lowered;
	[smem:$0x3FD2] =	sst s25  }
0xa6: {  	s4 =	sshll.u32 s26, $0x1;
	_ =	strace $0x8000004C;
	[dreg:$0x1] =	wrdreg $0xFFFFFFFF  }
0xa7: {  	s28 =	simm.s32 $_size_execute0_lowered;
	s2 =	sadd.s32 s2, s4;
	[dreg:$0x0] =	wrdreg $0x0  }
0xa8: {  	s4 =	sshll.u32 s28, $0x1;
	[dreg:$0x2] =	wrdreg s2  }
0xa9: {  	[dreg:$0x3] =	wrdreg s4  }
0xaa: {  	[dreg:$0x4] =	wrdreg $0xC0  }
0xab: {  	_ =	task [dreg:s6], $0x5FFFF  }
0xac: {  	[dreg:$0x1] =	wrdreg $0xFFFFFFFF  }
0xad: {  	[dreg:$0x0] =	wrdreg $0x60  }
0xae: {  	[dreg:$0x2] =	wrdreg s24  }
0xaf: {  	[dreg:$0x3] =	wrdreg $0x90000  }
0xb0: {  	[dreg:$0x4] =	wrdreg $0x9  }
0xb1: {  	_ =	task.clear_ibuf [dreg:s6], $0x5FFFF;
	_ =	strace $0x9000004C  }
0xb2: {  	s29 =	simm.s32 $0x9;
	_ =	strace $0x8000004E  }
0xb3: {  	_ =	swait.ge [sflag:s29], $0x1  }
0xb4: {  	[sflag:s29] =	ssyncadd.s32 $0xFFFFFFFF  }
0xb5: {  	_ =	strace $0x9000004E  }
0xb6: {  	_ =	sfence  }
0xb7: {  	s30 =	sld [smem:$0x0];
	_ =	sdelay $0x2  }
0xb8: {  	s31 =	sshll.u32 s1, $0xD;
	s1 =	sshrl.u32 s1, $0x2  }
0xb9: {  	s3 =	sand.u32 $0x4000, s31;
	s1 =	sadd.s32 s1, s30  }
0xba: {  	s0 =	sor.u32 s3, s0;
	s1 =	sshll.u32 s1, $0x11  }
0xbb: {  	s0 =	sor.u32 s1, s0  }
0xbc: {  	s0 =	sadd.s32 $0x8F2B, s0  }
0xbd: {  	[sflag:s0] =	ssyncadd.remote.s32 $0x1  }
0xbe: {  	_ =	sfence.sel $0xFFFF  }
0xbf: {  	[dreg:$0x0] =	wrdreg $0xFFFFFFFF;
	(pc) =	sbr.abs _section_cstart, $3  }
0xc0: {  	[dreg:$0x1] =	wrdreg $0xFFFFFFFF  }
0xc1: {  	_ =	task.clear_ibuf [dreg:s6], $0x2FFFF;
	_ =	strace $0x9FFFFFFF  }
0xc2: {  	(tm) =	ssettm $0x7FFFFFFF  }
0xc3: {  	_ =	shalt  }
tec
execute0_lowered:
.L_overlay_start_1:
0x0: {  	(tag) =	ssettag $0x1  }
0x1: {  	s12 =	rddreg [dreg:$0x0]  }
0x2: {  	s2 =	rddreg [dreg:$0x1]  }
0x3: {  	s0 =	rddreg [dreg:$0x2];
	s3 =	simm.s32 $0x0  }
0x4: {  	s1 =	stileid.u32;
	s4 =	srdreg.scid;
	s14 =	simm.s32 $0x2  }
0x5: {  	s15 =	simm.s32 $0x2800;
	s18 =	simm.s32 $0x80;
	s19 =	simm.s32 $0x5000  }
0x6: {  	s20 =	simm.s32 $0x1;
	s21 =	simm.s32 $0x0;
	s5 =	smul.u32 $0x500, s1  }
0x7: {  	[smem:$0x7FF] =	sst s3;
	s9 =	sand.u32 $0x1, s4;
	s10 =	smul.u32 $0x50000, s1  }
0x8: {  	s4 =	sadd.s32 $0x5C800, s12;
	s11 =	smul.u32 $0x14000, s1;
	s16 =	sshll.u32 s1, $0x6  }
0x9: {  	_ =	strace $0x8000004D;
	s6 =	ssub.s32 $0x2, s9;
	p0 =	seq.s32 s9, $0x1  }
0xa: {  	s16 =	sor.u32 $0x1C02, s16;
	s7 =	sadd.s32 s5, s12;
	s8 =	sshrl.u32 s6, $0x1  }
.Ltmp0:
0xb: {  	s5 =	sadd.s32 $0xAC800, s12;
	s30 =	sshrl.u32 s10, $0x2;
	(pc) =	sbr.rel .LBB2_1-.Ltmp0, $4  }
0xc: {  	s31 =	sshrl.u32 s11, $0x3;
	s12 =	sadd.s32 $0x84800, s12;
	s13 =	ssub.s32 s6, s8  }
0xd: {  	s6 =	sadd.s32 $0x2000, s7;
	s8 =	smul.u32 $0x2800, s1;
	s10 =	sadd.s32 $0x28000, s31  }
0xe: {  	s7 =	sadd.s32 $0x7000, s7;
	s17 =	sadd.s32 s30, s2;
	s11 =	sadd.s32 s4, s10  }
0xf: {  	s13 =	smax.u32 s13, $0x1;
	s17 =	sshrl.u32 s17, $0x3;
	s9 =	sadd.s32 s4, s8  }
.LBB2_7:
0x10: {  	s22 =	sshra.s32 s22, $0x2;
	[sflag:s14] =	ssyncadd.s32 $0xFFFFC000  }
0x11: {  	[tilespmem:s19], [sflag:$0x1] =	stream.indirect.gather [hbm4b:s12+s18], $0x80, s22, s18, $0xb8;
	[tilespmem:$0x1D000] =	vst v63  }
0x12: {  	_ =	swait.ge [sflag:s20], $0x4000  }
0x13: {  	[sflag:s20] =	ssyncset.done $0x0  }
0x14: {  	s22 =	sadd.s32 $0x2800, s22;
	[sflag:s20] =	ssyncadd.s32 $0xFFFFC000  }
0x15: {  	[spmem:s2] =	stream.indirect.scatter.add.f32 [tilespmem:s19], [sflag:$0x2], $0x80, s22, s18, $0xb8;
	[tilespmem:$0x1D000] =	vst v63  }
0x16: {  	_ =	swait.ge [sflag:s14], $0x4000  }
0x17: {  	[sflag:s14] =	ssyncset.done $0x0  }
0x18: {  	s22 =	smov.u32 s10;
	[sflag:s14] =	ssyncadd.s32 $0xFFFFC000  }
.LBB2_8:
0x19: {  	s22 =	sadd.s32 s5, s22;
	[bflag:$0x0] =	sbarrier.arrive $0xFFFF;
	s21 =	sadd.s32 $0x1, s21  }
0x1a: {  	[hbm:s22], [sflag:s16] =	dma.local [spmem:s17], $0x2800  }
0x1b: {  	p1 =	sne.s32 s21, s13  }
.Ltmp1:
0x1c: {  	_ =	swait.ge [sflag:s14], $0x2800;
	(pc) =	sbr.rel @!p1 .LBB2_9-.Ltmp1, $3  }
0x1d: {  	[sflag:s14] =	ssyncset.done $0x0  }
0x1e: {  	[sflag:s14] =	ssyncadd.s32 $0xFFFFD800  }
0x1f: {  	[bflag:$0x0] =	sbarrier.arrive $0xFFFF;
	_ =	sdelay $0x1  }
.LBB2_1:
0x20: {  	[tilespmem:s3], [sflag:$0x2] =	stream.linear.gather [hbm4b:s6+s3], $0x2800, $0x38;
	[tilespmem:$0x1D000] =	vst v63  }
0x21: {  	_ =	swait.ge [sflag:s14], $0x2800  }
0x22: {  	[sflag:s14] =	ssyncset.done $0x0  }
.Ltmp2:
0x23: {  	[sflag:s14] =	ssyncadd.s32 $0xFFFFD800;
	(pc) =	sbr.rel @!p0 .LBB2_2-.Ltmp2, $4  }
0x24: {  	[tilespmem:s15], [sflag:$0x2] =	stream.linear.gather [hbm4b:s7+s3], $0x2800, $0x38;
	[tilespmem:$0x1D000] =	vst v63  }
0x25: {  	_ =	swait.ge [sflag:s14], $0x2800  }
0x26: {  	[sflag:s14] =	ssyncset.done $0x0  }
0x27: {  	[sflag:s14] =	ssyncadd.s32 $0xFFFFD800  }
0x28: {  	[spmem:s17], [sflag:s16] =	dma.local [hbm:s11], $0x2800  }
0x29: {  	_ =	swait.ge [sflag:s14], $0x2800  }
0x2a: {  	[sflag:s14] =	ssyncset.done $0x0  }
0x2b: {  	[sflag:s14] =	ssyncadd.s32 $0xFFFFD800  }
0x2c: {  	s22 =	simm.s32 $0x0;
	[bflag:$0x0] =	sbarrier.arrive $0xFFFF  }
0x2d: {  	[tilespmem:s19], [sflag:$0x1] =	stream.indirect.gather [hbm4b:s12+s18], $0x80, s22, s18, $0xb8;
	[tilespmem:$0x1D000] =	vst v63  }
0x2e: {  	_ =	swait.ge [sflag:s20], $0x4000  }
0x2f: {  	[sflag:s20] =	ssyncset.done $0x0  }
0x30: {  	s31 =	simm.s32 $0x2800;
	[sflag:s20] =	ssyncadd.s32 $0xFFFFC000  }
0x31: {  	[spmem:s2] =	stream.indirect.scatter.add.f32 [tilespmem:s19], [sflag:$0x2], $0x80, s31, s18, $0xb8;
	[tilespmem:$0x1D000] =	vst v63  }
0x32: {  	_ =	swait.ge [sflag:s14], $0x4000  }
0x33: {  	s23 =	simm.s32 $0x400;
	s22 =	simm.s32 $0x200;
	[sflag:s14] =	ssyncset.done $0x0  }
.LBB2_6:
0x34: {  	s24 =	sshra.s32 s22, $0x2  }
0x35: {  	[sflag:s14] =	ssyncadd.s32 $0xFFFFC000;
	s22 =	smov.u32 s23;
	s25 =	sadd.s32 $0x200, s23  }
0x36: {  	[tilespmem:s19], [sflag:$0x1] =	stream.indirect.gather [hbm4b:s12+s18], $0x80, s24, s18, $0xb8;
	[tilespmem:$0x1D000] =	vst v63  }
0x37: {  	p1 =	sne.s32 s23, $0x9E00;
	_ =	swait.ge [sflag:s20], $0x4000  }
.Ltmp3:
0x38: {  	[sflag:s20] =	ssyncset.done $0x0;
	(pc) =	sbr.rel @p1 .LBB2_6-.Ltmp3, $4  }
0x39: {  	s23 =	sadd.s32 $0x2800, s24;
	[sflag:s20] =	ssyncadd.s32 $0xFFFFC000  }
0x3a: {  	[spmem:s2] =	stream.indirect.scatter.add.f32 [tilespmem:s19], [sflag:$0x2], $0x80, s23, s18, $0xb8;
	[tilespmem:$0x1D000] =	vst v63  }
0x3b: {  	_ =	swait.ge [sflag:s14], $0x4000  }
0x3c: {  	s23 =	smov.u32 s25;
	[sflag:s14] =	ssyncset.done $0x0  }
.Ltmp4:
0x3d: {  	_ = 	snop;
	(pc) =	sbr.rel .LBB2_7-.Ltmp4, $1  }
0x3e: {  	_ =	sdelay $0x3  }
.LBB2_2:
0x3f: {  	[spmem:s17], [sflag:s16] =	dma.local [hbm:s9], $0x2800  }
0x40: {  	_ =	swait.ge [sflag:s14], $0x2800  }
0x41: {  	[sflag:s14] =	ssyncset.done $0x0  }
0x42: {  	[sflag:s14] =	ssyncadd.s32 $0xFFFFD800  }
0x43: {  	s22 =	simm.s32 $0x0;
	[bflag:$0x0] =	sbarrier.arrive $0xFFFF  }
0x44: {  	[tilespmem:s19], [sflag:$0x1] =	stream.indirect.gather [hbm4b:s4+s18], $0x80, s22, s18, $0xb8;
	[tilespmem:$0x1D000] =	vst v63  }
0x45: {  	_ =	swait.ge [sflag:s20], $0x4000  }
0x46: {  	[sflag:s20] =	ssyncset.done $0x0  }
0x47: {  	s31 =	simm.s32 $0x2800;
	[sflag:s20] =	ssyncadd.s32 $0xFFFFC000  }
0x48: {  	[spmem:s2] =	stream.indirect.scatter.add.f32 [tilespmem:s19], [sflag:$0x2], $0x80, s31, s18, $0xb8;
	[tilespmem:$0x1D000] =	vst v63  }
0x49: {  	_ =	swait.ge [sflag:s14], $0x4000  }
0x4a: {  	s23 =	simm.s32 $0x400;
	s22 =	simm.s32 $0x200;
	[sflag:s14] =	ssyncset.done $0x0  }
.LBB2_3:
0x4b: {  	s24 =	sshra.s32 s22, $0x2  }
0x4c: {  	[sflag:s14] =	ssyncadd.s32 $0xFFFFC000;
	s22 =	smov.u32 s23;
	s25 =	sadd.s32 $0x200, s23  }
0x4d: {  	[tilespmem:s19], [sflag:$0x1] =	stream.indirect.gather [hbm4b:s4+s18], $0x80, s24, s18, $0xb8;
	[tilespmem:$0x1D000] =	vst v63  }
0x4e: {  	p1 =	seq.s32 s23, $0x9E00;
	_ =	swait.ge [sflag:s20], $0x4000  }
.Ltmp5:
0x4f: {  	[sflag:s20] =	ssyncset.done $0x0;
	(pc) =	sbr.rel @!p1 .LBB2_3-.Ltmp5, $4  }
0x50: {  	s23 =	sadd.s32 $0x2800, s24;
	[sflag:s20] =	ssyncadd.s32 $0xFFFFC000  }
0x51: {  	[spmem:s2] =	stream.indirect.scatter.add.f32 [tilespmem:s19], [sflag:$0x2], $0x80, s23, s18, $0xb8;
	[tilespmem:$0x1D000] =	vst v63  }
0x52: {  	_ =	swait.ge [sflag:s14], $0x4000  }
0x53: {  	s23 =	smov.u32 s25;
	[sflag:s14] =	ssyncset.done $0x0  }
0x54: {  	s22 =	sshra.s32 s22, $0x2;
	[sflag:s14] =	ssyncadd.s32 $0xFFFFC000  }
0x55: {  	[tilespmem:s19], [sflag:$0x1] =	stream.indirect.gather [hbm4b:s4+s18], $0x80, s22, s18, $0xb8;
	[tilespmem:$0x1D000] =	vst v63  }
0x56: {  	_ =	swait.ge [sflag:s20], $0x4000  }
0x57: {  	[sflag:s20] =	ssyncset.done $0x0  }
.Ltmp6:
0x58: {  	s22 =	sadd.s32 $0x2800, s22;
	[sflag:s20] =	ssyncadd.s32 $0xFFFFC000;
	(pc) =	sbr.rel .LBB2_8-.Ltmp6, $4  }
0x59: {  	[spmem:s2] =	stream.indirect.scatter.add.f32 [tilespmem:s19], [sflag:$0x2], $0x80, s22, s18, $0xb8;
	[tilespmem:$0x1D000] =	vst v63  }
0x5a: {  	_ =	swait.ge [sflag:s14], $0x4000  }
0x5b: {  	[sflag:s14] =	ssyncset.done $0x0  }
0x5c: {  	s22 =	smov.u32 s8;
	[sflag:s14] =	ssyncadd.s32 $0xFFFFC000  }
.LBB2_9:
0x5d: {  	_ =	sfence.sel $0x180000  }
0x5e: {  	[bflag:$0x0] =	sbarrier.arrive $0xFFFF  }
0x5f: {  	p0 =	sne.s32 s1, $0x0;
	_ =	strace $0x9000004D  }
0x60: {  	s0 =	sadd.s32 @!p0 $0x100000, s0;
	[bflag:$0x2] =	sbarrier.arrive $0xFFFF  }
0x61: {  	[sflag:s0] =	ssyncadd.tile.s32 @!p0 $0x1;
	_ =	shalt  }
.Lfunc_end2:
_tile_overlayer_lowered:
.L_overlay_start_2:
0x62: {  	(tag) =	ssettag $0x2  }
0x63: {  	s0 =	rddreg [dreg:$0x0];
	s2 =	stileid.u32  }
0x64: {  	s1 =	rddreg [dreg:$0x1];
	p0 =	sne.s32 s2, $0x0  }
0x65: {  	s3 =	rddreg [dreg:$0x2];
	[bflag:$0x3] =	sbarrier.arrive $0xFFFF;
	s2 =	simm.s32 @!p0 $0x1C02  }
0x66: {  	[timem:s3], [sflag:s2] =	dma.local @!p0 [hbm:s0], s1  }
0x67: {  	s0 =	simm.s32 @!p0 $0x2  }
0x68: {  	_ =	swait.ge @!p0 [sflag:s0], s1  }
0x69: {  	s1 =	ssub.s32 @!p0 $0x0, s1;
	[sflag:s0] =	ssyncset.done @!p0 $0x0  }
0x6a: {  	[sflag:s0] =	ssyncadd.s32 @!p0 s1  }
0x6b: {  	[bflag:$0x3] =	sbarrier.arrive $0xFFFF  }
0x6c: {  	_ =	shalt  }

// kernel: kernel.8.cloned.1.call-start
scs
__scs_entry_jumppad:
0x0: {  	(pc) =	sbr.rel $0x88, $3  }
0x1: {  	(tag) =	ssettag $0x0;
	lr =	simm.s32 $0x1  }
0x2: {  	[smem:$0x3F9B] =	sst lr;
	_ =	strace $0xD0000000  }
0x3: {  	_ = 	snop  }
0x4: {  	_ = 	snop  }
0x5: {  	_ = 	snop  }
0x6: {  	_ = 	snop  }
0x7: {  	_ = 	snop  }
__scs_overlays_trampoline_lowered:
0x8: {  	[smem:$0x3FAA] =	sst s0  }
0x9: {  	[smem:$0x3FAB] =	sst s1  }
0xa: {  	[smem:$0x3FAC] =	sst s2  }
0xb: {  	[smem:$0x3FAD] =	sst s3  }
0xc: {  	[smem:$0x3FAE] =	sst s4  }
0xd: {  	[smem:$0x3FAF] =	sst s5  }
0xe: {  	[smem:$0x3FB0] =	sst s6  }
0xf: {  	[smem:$0x3FB1] =	sst s7  }
0x10: {  	[smem:$0x3FB2] =	sst s8  }
0x11: {  	[smem:$0x3FB3] =	sst s9;
	s0 =	simm.s32 @!p0 $0x0  }
0x12: {  	s1 =	sld [smem:$0x3F99];
	s0 =	simm.s32 @p0 $0x1  }
0x13: {  	[smem:$0x3FB4] =	sst s0;
	s0 =	simm.s32 @!p1 $0x0  }
0x14: {  	s2 =	sld [smem:$0x3F98];
	s0 =	simm.s32 @p1 $0x1  }
0x15: {  	[smem:$0x3FB5] =	sst s0;
	s0 =	simm.s32 @!p2 $0x0  }
0x16: {  	s3 =	sld [smem:$0x3FDB];
	s0 =	simm.s32 @p2 $0x1  }
0x17: {  	s4 =	simm.s32 $0x1BF5;
	[smem:$0x3FB7] =	sst s0  }
0x18: {  	s0 =	sld [smem:$0x3F9A];
	_ =	swait.ge [sflag:s4], $0x0  }
0x19: {  	s7 =	sld [smem:$0x3F9B]  }
0x1a: {  	s8 =	sadd.s32 $0xFFFFE003, lr  }
0x1b: {  	s9 =	sadd.s32 $0xFFFFFEF7, lr;
	s5 =	simm.s32 $0xFFFFFFFF;
	p2 =	slt.u32 s8, $0xFFFFF086  }
0x1c: {  	p1 =	slt.u32 s9, $0xF7A;
	s5 =	simm.s32 @!p2 $0x0  }
0x1d: {  	s5 =	simm.s32 @p1 $0x1;
	p0 =	seq.s32 s7, s2  }
0x1e: {  	s7 =	smul.u32 @!p0 $0xF7A, s2;
	p2 =	seq.s32 @!p0 s5, $0x0  }
0x1f: {  	s9 =	smul.u32 $0xF7A, s1;
	s8 =	simm.s32 @!p0 $0x1BF5;
	p2 =	por !p2, p0  }
0x20: {  	[sflag:s8] =	ssyncset.s32 @!p0 $0xFFFFF086;
	s6 =	sadd.s32 @!p0 s3, s7;
	s7 =	simm.s32 @!p0 $0x108  }
0x21: {  	s3 =	sadd.s32 s3, s9;
	s6 =	sadd.s32 @!p0 $0x88, s6;
	s7 =	simm.s32 @p2 $0x1082  }
0x22: {  	[simem:s7], [sflag:s8] =	dma.local @!p0 [hbm:s6], $0xF7A  }
0x23: {  	s9 =	sor.u32 $0xD0000000, s2;
	s6 =	simm.s32 $0x108;
	_ =	swait.ge @!p0 [sflag:s8], $0x0  }
0x24: {  	s3 =	sadd.s32 $0x88, s3;
	s6 =	simm.s32 @!p1 $0x1082;
	[sflag:s4] =	ssyncset.s32 $0xFFFFF086  }
0x25: {  	[simem:s6], [sflag:s4] =	dma.local [hbm:s3], $0xF7A  }
0x26: {  	[smem:$0x3F9B] =	sst s1;
	(tag) =	ssettag s2;
	_ =	strace s9  }
0x27: {  	s1 =	sld [smem:$0x3FAB]  }
0x28: {  	s2 =	sld [smem:$0x3FAC]  }
0x29: {  	s4 =	sld [smem:$0x3FAE]  }
0x2a: {  	p0 =	seq.s32 s5, $0x0;
	s5 =	sld [smem:$0x3FAF]  }
0x2b: {  	s6 =	sld [smem:$0x3FB0]  }
0x2c: {  	s7 =	sld [smem:$0x3FB1]  }
0x2d: {  	s3 =	simm.s32 $0x108;
	s8 =	sld [smem:$0x3FB2]  }
0x2e: {  	s3 =	simm.s32 @!p0 $0x1082;
	s9 =	sld [smem:$0x3FB3]  }
0x2f: {  	lr =	sadd.s32 s0, s3;
	s0 =	sld [smem:$0x3FAA]  }
0x30: {  	s3 =	sld [smem:$0x3FAD]  }
0x31: {  	[smem:$0x3FB6] =	sst s10  }
0x32: {  	s10 =	sld [smem:$0x3FB4];
	_ =	sdelay $0x3  }
0x33: {  	p0 =	seq.s32 s10, $0x1;
	s10 =	sld [smem:$0x3FB6];
	_ =	sdelay $0x3  }
0x34: {  	[smem:$0x3FB6] =	sst s10  }
0x35: {  	s10 =	sld [smem:$0x3FB5];
	_ =	sdelay $0x3  }
0x36: {  	p1 =	seq.s32 s10, $0x1;
	s10 =	sld [smem:$0x3FB6];
	_ =	sdelay $0x3  }
0x37: {  	[smem:$0x3FB6] =	sst s10  }
0x38: {  	s10 =	sld [smem:$0x3FB7]  }
0x39: {  	_ = 	snop;
	(pc) =	sbr.ind lr, $3  }
0x3a: {  	_ = 	snop  }
0x3b: {  	_ = 	snop  }
0x3c: {  	p2 =	seq.s32 s10, $0x1;
	s10 =	sld [smem:$0x3FB6]  }
0x3d: {  	_ =	shalt  }
0x3e: {  	_ =	shalt  }
0x3f: {  	_ =	shalt  }
0x40: {  	_ =	shalt  }
0x41: {  	_ =	shalt  }
0x42: {  	_ =	shalt  }
0x43: {  	_ =	shalt  }
0x44: {  	_ =	shalt  }
0x45: {  	_ =	shalt  }
0x46: {  	_ =	shalt  }
0x47: {  	_ =	shalt  }
0x48: {  	_ =	shalt  }
0x49: {  	_ =	shalt  }
0x4a: {  	_ =	shalt  }
0x4b: {  	_ =	shalt  }
0x4c: {  	_ =	shalt  }
0x4d: {  	_ =	shalt  }
0x4e: {  	_ =	shalt  }
0x4f: {  	_ =	shalt  }
0x50: {  	_ =	shalt  }
0x51: {  	_ =	shalt  }
0x52: {  	_ =	shalt  }
0x53: {  	_ =	shalt  }
0x54: {  	_ =	shalt  }
0x55: {  	_ =	shalt  }
0x56: {  	_ =	shalt  }
0x57: {  	_ =	shalt  }
0x58: {  	_ =	shalt  }
0x59: {  	_ =	shalt  }
0x5a: {  	_ =	shalt  }
0x5b: {  	_ =	shalt  }
0x5c: {  	_ =	shalt  }
0x5d: {  	_ =	shalt  }
0x5e: {  	_ =	shalt  }
0x5f: {  	_ =	shalt  }
0x60: {  	_ =	shalt  }
0x61: {  	_ =	shalt  }
0x62: {  	_ =	shalt  }
0x63: {  	_ =	shalt  }
0x64: {  	_ =	shalt  }
0x65: {  	_ =	shalt  }
0x66: {  	_ =	shalt  }
0x67: {  	_ =	shalt  }
0x68: {  	_ =	shalt  }
0x69: {  	_ =	shalt  }
0x6a: {  	_ =	shalt  }
0x6b: {  	_ =	shalt  }
0x6c: {  	_ =	shalt  }
0x6d: {  	_ =	shalt  }
0x6e: {  	_ =	shalt  }
0x6f: {  	_ =	shalt  }
0x70: {  	_ =	shalt  }
0x71: {  	_ =	shalt  }
0x72: {  	_ =	shalt  }
0x73: {  	_ =	shalt  }
0x74: {  	_ =	shalt  }
0x75: {  	_ =	shalt  }
0x76: {  	_ =	shalt  }
0x77: {  	_ =	shalt  }
0x78: {  	_ =	shalt  }
0x79: {  	_ =	shalt  }
0x7a: {  	_ =	shalt  }
0x7b: {  	_ =	shalt  }
0x7c: {  	_ =	shalt  }
0x7d: {  	_ =	shalt  }
0x7e: {  	_ =	shalt  }
0x7f: {  	_ =	shalt  }
0x80: {  	_ =	shalt  }
0x81: {  	_ =	shalt  }
0x82: {  	_ =	shalt  }
0x83: {  	_ =	shalt  }
0x84: {  	_ =	shalt  }
0x85: {  	_ =	shalt  }
0x86: {  	_ =	shalt  }
0x87: {  	_ =	shalt  }
.Lfunc_end0:
.L_simem_size_0:
called_computation_lowered:
.L_overlay_start_0:
0x88: {  	s2 =	sld [smem:$0x3FD9]  }
0x89: {  	s3 =	sld [smem:$0x3FFE];
	_ =	sdelay $0x1  }
0x8a: {  	s1 =	srdreg.scid  }
0x8b: {  	s0 =	sand.u32 $0x1, s1  }
0x8c: {  	s17 =	sshll.u32 s0, $0xA;
	s2 =	sadd.s32 s3, s2  }
0x8d: {  	s2 =	sadd.s32 s2, s17  }
0x8e: {  	[smem:$0x3FC2] =	sst s2  }
0x8f: {  	_ = 	snop  }
0x90: {  	s2 =	sld [smem:$0x3FD0];
	(tm) =	ssettm $0x1  }
0x91: {  	s18 =	sld [smem:$0x3FFB];
	_ =	sdelay $0x3  }
0x92: {  	_ =	strace s18  }
0x93: {  	s3 =	sld [smem:$0x3FFC];
	_ =	sdelay $0x3  }
0x94: {  	_ =	strace s3  }
0x95: {  	s3 =	sld [smem:$0x3FFD];
	_ =	sdelay $0x3  }
0x96: {  	_ =	strace s3  }
0x97: {  	_ =	strace $0x8FFFFFFF  }
0x98: {  	s19 =	sld [smem:$0x3FDB];
	_ =	sdelay $0x1  }
0x99: {  	s4 =	simm.s32 $_scs_section_size  }
0x9a: {  	s5 =	simm.s32 $_size__tile_overlayer_lowered;
	s6 =	simm.s32 $_tile_overlayer_lowered  }
0x9b: {  	s22 =	simm.s32 $0x1BFF;
	s21 =	sshll.u32 s6, $0x1;
	s3 =	sadd.s32 s4, s19  }
0x9c: {  	s7 =	simm.s32 $0x0;
	s20 =	sshll.u32 s5, $0x1;
	s5 =	sadd.s32 s21, s3  }
0x9d: {  	[timem:s7], [sflag:s22] =	dma.local [hbm:s5], s20  }
0x9e: {  	_ =	swait.ge [sflag:s22], s20  }
0x9f: {  	s4 =	ssub.s32 $0x0, s20;
	[sflag:s22] =	ssyncset.done $0x0  }
0xa0: {  	[sflag:s22] =	ssyncadd.s32 s4;
	_ =	sdelay $0x1  }
0xa1: {  	s23 =	simm.s32 $0x1B8B  }
0xa2: {  	_ =	swait.ge [sflag:s23], $0x1  }
0xa3: {  	[sflag:s23] =	ssyncset.done $0x0  }
0xa4: {  	s25 =	simm.s32 $0x1B8E;
	s24 =	sld [smem:$0x3FFE];
	[sflag:s23] =	ssyncadd.s32 $0xFFFFFFFF  }
0xa5: {  	s26 =	simm.s32 $execute0_lowered;
	[smem:$0x3FD2] =	sst s25  }
0xa6: {  	s5 =	sshll.u32 s26, $0x1;
	_ =	strace $0x80000046;
	[dreg:$0x1] =	wrdreg $0xFFFFFFFF  }
0xa7: {  	s28 =	simm.s32 $_size_execute0_lowered;
	s3 =	sadd.s32 s3, s5;
	[dreg:$0x0] =	wrdreg $0x0  }
0xa8: {  	s5 =	sshll.u32 s28, $0x1;
	[dreg:$0x2] =	wrdreg s3  }
0xa9: {  	[dreg:$0x3] =	wrdreg s5  }
0xaa: {  	[dreg:$0x4] =	wrdreg $0xC0  }
0xab: {  	_ =	task [dreg:s7], $0x5FFFF  }
0xac: {  	[dreg:$0x1] =	wrdreg $0xFFFFFFFF  }
0xad: {  	[dreg:$0x0] =	wrdreg $0x60  }
0xae: {  	[dreg:$0x2] =	wrdreg s24  }
0xaf: {  	[dreg:$0x3] =	wrdreg s2  }
0xb0: {  	[dreg:$0x4] =	wrdreg $0x54000  }
0xb1: {  	[dreg:$0x5] =	wrdreg $0x9  }
0xb2: {  	_ =	task.clear_ibuf [dreg:s7], $0x6FFFF;
	_ =	strace $0x90000046  }
0xb3: {  	s29 =	simm.s32 $0x9;
	_ =	strace $0x80000048  }
0xb4: {  	_ =	swait.ge [sflag:s29], $0x1  }
0xb5: {  	[sflag:s29] =	ssyncadd.s32 $0xFFFFFFFF  }
0xb6: {  	_ =	strace $0x90000048  }
0xb7: {  	_ =	sfence  }
0xb8: {  	s30 =	sld [smem:$0x0];
	_ =	sdelay $0x2  }
0xb9: {  	s31 =	sshll.u32 s1, $0xD;
	s1 =	sshrl.u32 s1, $0x2  }
0xba: {  	s3 =	sand.u32 $0x4000, s31;
	s1 =	sadd.s32 s1, s30  }
0xbb: {  	s0 =	sor.u32 s3, s0;
	s1 =	sshll.u32 s1, $0x11  }
0xbc: {  	s0 =	sor.u32 s1, s0  }
0xbd: {  	s0 =	sadd.s32 $0x8F2B, s0  }
0xbe: {  	[sflag:s0] =	ssyncadd.remote.s32 $0x1  }
0xbf: {  	_ =	sfence.sel $0xFFFF  }
0xc0: {  	[dreg:$0x0] =	wrdreg $0xFFFFFFFF;
	(pc) =	sbr.abs _section_cstart, $3  }
0xc1: {  	[dreg:$0x1] =	wrdreg $0xFFFFFFFF  }
0xc2: {  	_ =	task.clear_ibuf [dreg:s7], $0x2FFFF;
	_ =	strace $0x9FFFFFFF  }
0xc3: {  	(tm) =	ssettm $0x7FFFFFFF  }
tec
execute0_lowered:
.L_overlay_start_1:
0x0: {  	(tag) =	ssettag $0x1  }
0x1: {  	s5 =	rddreg [dreg:$0x0]  }
0x2: {  	s1 =	srdreg.scid;
	s6 =	rddreg [dreg:$0x1]  }
0x3: {  	s0 =	stileid.u32;
	s2 =	rddreg [dreg:$0x2]  }
0x4: {  	s3 =	simm.s32 $0x0;
	s12 =	simm.s32 $0x1400;
	s13 =	simm.s32 $0x80  }
0x5: {  	s14 =	simm.s32 $0x0;
	s4 =	sand.u32 $0x1, s1;
	s8 =	smul.u32 $0x14000, s0  }
0x6: {  	s28 =	sshll.u32 s0, $0x1;
	[smem:$0x7FF] =	sst s3;
	s11 =	smul.u32 $0x50000, s0  }
0x7: {  	s31 =	sshll.u32 s0, $0x6;
	s1 =	sor.u32 s4, s28;
	s9 =	smul.u32 $0x140000, s4  }
0x8: {  	s10 =	ssub.s32 $0x2, s4;
	s4 =	sadd.s32 $0xC000, s5;
	s7 =	smul.u32 $0x280, s1  }
0x9: {  	s1 =	rddreg [dreg:$0x3];
	_ =	strace $0x80000047;
	s29 =	sshrl.u32 s10, $0x1  }
0xa: {  	s30 =	sshrl.u32 s11, $0x2;
	s9 =	sadd.s32 s8, s9;
	s10 =	ssub.s32 s10, s29  }
0xb: {  	s8 =	sshrl.u32 s8, $0x3;
	s11 =	sadd.s32 s30, s2;
	s9 =	sshrl.u32 s9, $0x3  }
0xc: {  	s7 =	sadd.s32 s7, s5;
	s9 =	sadd.s32 s9, s5;
	s5 =	sadd.s32 s6, s8  }
0xd: {  	s6 =	sor.u32 $0x1C01, s31;
	s7 =	sadd.s32 $0x7000, s7;
	s8 =	sadd.s32 $0xC800, s9  }
0xe: {  	s9 =	smax.u32 s10, $0x1;
	s10 =	sshrl.u32 s11, $0x3;
	s11 =	simm.s32 $0x1  }
.LBB2_1:
0xf: {  	[spmem:s10], [sflag:s6] =	dma.local [hbm:s5], $0x2800  }
0x10: {  	_ =	swait.ge [sflag:s11], $0x2800  }
0x11: {  	[sflag:s11] =	ssyncset.done $0x0  }
0x12: {  	[sflag:s11] =	ssyncadd.s32 $0xFFFFD800  }
0x13: {  	[tilespmem:s12], [sflag:$0x1] =	stream.linear.gather [hbm4b:s4+s3], $0x4000, $0x38;
	[tilespmem:$0x7C00] =	vst v63  }
0x14: {  	_ =	swait.ge [sflag:s11], $0x4000  }
0x15: {  	[sflag:s11] =	ssyncset.done $0x0  }
0x16: {  	[sflag:s11] =	ssyncadd.s32 $0xFFFFC000  }
0x17: {  	[tilespmem:s3], [sflag:$0x1] =	stream.linear.gather [hbm4b:s7+s3], $0x1400, $0x38;
	[tilespmem:$0x7C00] =	vst v63  }
0x18: {  	_ =	swait.ge [sflag:s11], $0x1400  }
0x19: {  	[sflag:s11] =	ssyncset.done $0x0  }
0x1a: {  	[sflag:s11] =	ssyncadd.s32 $0xFFFFEC00  }
0x1b: {  	s15 =	simm.s32 $0x0;
	[bflag:$0x0] =	sbarrier.arrive $0xFFFF  }
0x1c: {  	[spmem:s2] =	stream.indirect.scatter.add.f32 [tilespmem:s12], [sflag:$0x1], $0x10, s15, s13, $0xb8;
	[tilespmem:$0x7C00] =	vst v63  }
0x1d: {  	_ =	swait.ge [sflag:s11], $0x800  }
0x1e: {  	s15 =	simm.s32 $0x200;
	[sflag:s11] =	ssyncset.done $0x0  }
.LBB2_2:
0x1f: {  	s16 =	sshra.s32 s15, $0x2;
	[sflag:s11] =	ssyncadd.s32 $0xFFFFF800;
	p0 =	sne.s32 s15, $0x4E00  }
0x20: {  	[spmem:s2] =	stream.indirect.scatter.add.f32 [tilespmem:s12], [sflag:$0x1], $0x10, s16, s13, $0xb8;
	[tilespmem:$0x7C00] =	vst v63  }
.Ltmp0:
0x21: {  	_ = 	snop;
	(pc) =	sbr.rel @p0 .LBB2_2-.Ltmp0, $4  }
0x22: {  	_ = 	snop  }
0x23: {  	s15 =	sadd.s32 $0x200, s15  }
0x24: {  	_ =	swait.ge [sflag:s11], $0x800  }
0x25: {  	[sflag:s11] =	ssyncset.done $0x0  }
0x26: {  	s14 =	sadd.s32 $0x1, s14  }
0x27: {  	[sflag:s11] =	ssyncadd.s32 $0xFFFFF800;
	p0 =	sne.s32 s14, s9  }
.Ltmp1:
0x28: {  	[bflag:$0x0] =	sbarrier.arrive $0xFFFF;
	(pc) =	sbr.rel @p0 .LBB2_1-.Ltmp1, $4  }
0x29: {  	[hbm:s8], [sflag:s6] =	dma.local [spmem:s10], $0x2800  }
0x2a: {  	_ =	swait.ge [sflag:s11], $0x2800  }
0x2b: {  	[sflag:s11] =	ssyncset.done $0x0  }
0x2c: {  	[sflag:s11] =	ssyncadd.s32 $0xFFFFD800  }
0x2d: {  	_ =	sfence.sel $0x180000  }
0x2e: {  	[bflag:$0x0] =	sbarrier.arrive $0xFFFF  }
0x2f: {  	p0 =	sne.s32 s0, $0x0;
	_ =	strace $0x90000047  }
0x30: {  	s0 =	sadd.s32 @!p0 $0x100000, s1;
	[bflag:$0x2] =	sbarrier.arrive $0xFFFF  }
0x31: {  	[sflag:s0] =	ssyncadd.tile.s32 @!p0 $0x1;
	_ =	shalt  }
.Lfunc_end2:
_tile_overlayer_lowered:
.L_overlay_start_2:
0x32: {  	(tag) =	ssettag $0x2  }
0x33: {  	s0 =	rddreg [dreg:$0x0];
	s2 =	stileid.u32  }
0x34: {  	s1 =	rddreg [dreg:$0x1];
	p0 =	sne.s32 s2, $0x0  }
0x35: {  	s3 =	rddreg [dreg:$0x2];
	[bflag:$0x3] =	sbarrier.arrive $0xFFFF;
	s2 =	simm.s32 @!p0 $0x1C01  }
0x36: {  	[timem:s3], [sflag:s2] =	dma.local @!p0 [hbm:s0], s1  }
0x37: {  	s0 =	simm.s32 @!p0 $0x1  }
0x38: {  	_ =	swait.ge @!p0 [sflag:s0], s1  }
0x39: {  	s1 =	ssub.s32 @!p0 $0x0, s1;
	[sflag:s0] =	ssyncset.done @!p0 $0x0  }
0x3a: {  	[sflag:s0] =	ssyncadd.s32 @!p0 s1  }
0x3b: {  	[bflag:$0x3] =	sbarrier.arrive $0xFFFF  }
0x3c: {  	_ =	shalt  }

</sc_bundles>
